<compile_context>
chip_gen: v7x
topology: tpu7x:2x2x1
jax: 0.10.2.dev20260603
libtpu: 0.0.44.dev20260713+nightly
codegen_flags: <defaults>
</compile_context>

<pallas_src>
import functools

import jax
import jax.numpy as jnp
import numpy as np
from jax import lax
from jax.experimental import pallas as pl
from jax.experimental.pallas import tpu as pltpu
from jax.experimental.pallas import tpu_sc as plsc

NTOKEN = 10000
NINP = 600
NHID = 600
NB = 6
BS = NHID // NB
TOPK = 4
ATT_OUT = BS * 4
DK = 64
MH = 4
MDK = 32
SEQ = 70
BATCH = 64

DPAD = 640
NW = 32
NTOT = SEQ * BATCH
BPAD = 4608
BPW = BPAD // NW


def _sc_gather(table_pad, idx_pad):
  mesh = plsc.VectorSubcoreMesh(core_axis_name="c", subcore_axis_name="s",
                                num_cores=2)

  @functools.partial(
      pl.kernel,
      mesh=mesh,
      out_type=jax.ShapeDtypeStruct((BPAD, DPAD), jnp.float32),
      scratch_types=[
          pltpu.VMEM((BPW,), jnp.int32),
          pltpu.VMEM((BPW, DPAD), jnp.float32),
          pltpu.SemaphoreType.DMA,
      ],
  )
  def k(table_hbm, idx_hbm, out_hbm, idx_v, rows_v, sem):
    wid = lax.axis_index("s") * 2 + lax.axis_index("c")
    base = wid * BPW
    pltpu.sync_copy(idx_hbm.at[pl.ds(base, BPW)], idx_v)
    pltpu.async_copy(table_hbm.at[idx_v], rows_v, sem).wait()
    pltpu.sync_copy(rows_v, out_hbm.at[pl.ds(base, BPW)])

  return k(table_pad, idx_pad)


_F32 = jnp.float32


def _bdot(a, b):
  return jnp.dot(a.astype(jnp.bfloat16), b.astype(jnp.bfloat16),
                 preferred_element_type=_F32)


def _bdot_t(a, b):
  return lax.dot_general(a.astype(jnp.bfloat16), b.astype(jnp.bfloat16),
                         (((1,), (1,)), ((), ())),
                         preferred_element_type=_F32)


def _core_kernel(hx_ref, cx_ref, iu_ref, wih_ref, whh_ref, lb_ref,
                 mqkvw_ref, mqkvb_ref, out_ref):
  for n in range(NB):
    sl = slice(n * BS, (n + 1) * BS)
    h_n = hx_ref[:, sl]
    c_n = cx_ref[:, sl]
    iu_n = iu_ref[:, n * ATT_OUT:(n + 1) * ATT_OUT]
    gates = (_bdot_t(h_n, whh_ref[n]) + _bdot_t(iu_n, wih_ref[n])
             + lb_ref[n])
    gi = gates[:, 0:BS]
    gf = gates[:, BS:2 * BS]
    gg = gates[:, 2 * BS:3 * BS]
    go = gates[:, 3 * BS:4 * BS]
    c_new = jax.nn.sigmoid(gf) * c_n + jax.nn.sigmoid(gi) * jnp.tanh(gg)
    h_new = jax.nn.sigmoid(go) * jnp.tanh(c_new)
    out_ref[:, sl] = h_new
    out_ref[:, NHID + n * BS:NHID + (n + 1) * BS] = c_new
    base = 2 * NHID + n * 3 * MH * MDK
    out_ref[:, base:base + 3 * MH * MDK] = (
        _bdot(h_new, mqkvw_ref[...]) + mqkvb_ref[...])


def _core_call(hx, cx, iu2d, lstm_wih, lstm_whh, lstm_b3, mqkv_w, mqkv_b):
  width = 2 * NHID + NB * 3 * MH * MDK
  return pl.pallas_call(
      _core_kernel,
      out_shape=jax.ShapeDtypeStruct((BATCH, width), jnp.float32),
  )(hx, cx, iu2d, lstm_wih, lstm_whh, lstm_b3, mqkv_w, mqkv_b)


def _recurrence(x_r, h0, c0, iq_w, iq_b, ik_w, ik_b, iv_w, iv_b,
                lstm_wih, lstm_whh, lstm_b, mq_w, mq_b, mk_w, mk_b,
                mv_w, mv_b, mf_w, mf_b, mg_w, mg_b):
  b = BATCH
  lstm_b3 = lstm_b.reshape(NB, 1, 4 * BS)
  mqkv_w = jnp.concatenate([mq_w, mk_w, mv_w], axis=1)
  mqkv_b = jnp.concatenate([mq_b, mk_b, mv_b]).reshape(1, 3 * MH * MDK)

  def step(carry, xt):
    hx, cx = carry
    inp_blocks = jnp.stack([jnp.zeros_like(xt), xt], axis=1)
    q = hx.reshape(b, NB, BS) @ iq_w + iq_b
    k = inp_blocks @ ik_w + ik_b
    v = inp_blocks @ iv_w + iv_b
    scores = jnp.einsum('bnd,bmd->bnm', q, k) / float(np.sqrt(DK))
    iatt = jax.nn.softmax(scores, axis=-1)
    inp_use = jnp.einsum('bnm,bmv->bnv', iatt, v)
    null_att = iatt[:, :, 0]
    _, bottomk = jax.lax.top_k(null_att, NB - TOPK)
    mask = jnp.ones((b, NB), jnp.float32).at[
        jnp.arange(b)[:, None], bottomk].set(0.0)
    core = _core_call(
        hx, cx, inp_use.reshape(b, NB * ATT_OUT), lstm_wih, lstm_whh,
        lstm_b3, mqkv_w, mqkv_b)
    hn = core[:, :NHID]
    cn = core[:, NHID:2 * NHID]
    qkv = core[:, 2 * NHID:].reshape(b, NB, 3, MH, MDK)
    q2 = qkv[:, :, 0]
    k2 = qkv[:, :, 1]
    v2 = qkv[:, :, 2]
    s2 = jnp.einsum('bnhd,bmhd->bhnm', q2, k2) / float(np.sqrt(MDK))
    a2 = jax.nn.softmax(s2, axis=-1)
    o2 = jnp.einsum('bhnm,bmhd->bnhd', a2, v2).reshape(b, NB, MH * MDK)
    att_update = (jax.nn.sigmoid(o2 @ mg_w + mg_b)
                  * jnp.tanh(o2 @ mf_w + mf_b))
    h_new = hn.reshape(b, NB, BS)
    c_new = cn.reshape(b, NB, BS)
    h_new2 = h_new + att_update
    mb = mask[:, :, None]
    h_b = hx.reshape(b, NB, BS)
    c_b = cx.reshape(b, NB, BS)
    hx_out = (mb * h_new2 + (1.0 - mb) * h_b).reshape(b, NHID)
    cx_out = (mb * c_new + (1.0 - mb) * c_b).reshape(b, NHID)
    return (hx_out, cx_out), hx_out

  (_, _), outs = jax.lax.scan(step, (h0, c0), x_r)
  return outs


_MT = 448
_NT = 2048


def _decode_kernel(x_ref, w_ref, b_ref, out_ref):
  x = x_ref[...].astype(jnp.bfloat16)
  w = w_ref[...].astype(jnp.bfloat16)
  acc = jnp.dot(x, w, preferred_element_type=jnp.float32)
  out_ref[...] = acc + b_ref[...]


def _decode(outs2d, dec_w, dec_b):
  grid = (pl.cdiv(NTOKEN, _NT), NTOT // _MT)
  return pl.pallas_call(
      _decode_kernel,
      grid=grid,
      in_specs=[
          pl.BlockSpec((_MT, NHID), lambda n, m: (m, 0)),
          pl.BlockSpec((NHID, _NT), lambda n, m: (0, n)),
          pl.BlockSpec((1, _NT), lambda n, m: (0, n)),
      ],
      out_specs=pl.BlockSpec((_MT, _NT), lambda n, m: (m, n)),
      out_shape=jax.ShapeDtypeStruct((NTOT, NTOKEN), jnp.float32),
  )(outs2d, dec_w, dec_b.reshape(1, NTOKEN))


def kernel(input, hidden_h0, hidden_c0, emb, iq_w, iq_b, ik_w, ik_b, iv_w,
           iv_b, lstm_wih, lstm_whh, lstm_b, mq_w, mq_b, mk_w, mk_b, mv_w,
           mv_b, mf_w, mf_b, mg_w, mg_b, dec_w, dec_b):
  table_pad = jnp.pad(emb, ((0, 0), (0, DPAD - NINP)))
  idx = input.reshape(-1).astype(jnp.int32)
  idx_pad = jnp.pad(idx, (0, BPAD - NTOT))
  x_rows = _sc_gather(table_pad, idx_pad)
  x_r = x_rows[:NTOT, :NINP].reshape(SEQ, BATCH, NINP)

  outs = _recurrence(x_r, hidden_h0, hidden_c0, iq_w, iq_b, ik_w, ik_b,
                     iv_w, iv_b, lstm_wih, lstm_whh, lstm_b, mq_w, mq_b,
                     mk_w, mk_b, mv_w, mv_b, mf_w, mf_b, mg_w, mg_b)

  logits = _decode(outs.reshape(NTOT, NHID), dec_w, dec_b)
  return logits.reshape(SEQ, BATCH, NTOKEN)

# --- scband reference (transcript-rebuilt; emitter-appended) ---
"""Pipeline reference for scband-rnnmodel-88639535055426 (READ-ONLY COPY).

The authoritative reference and input builder live on the scoring server;
editing this copy changes nothing except your own understanding.
"""

import jax, jax.numpy as jnp
import numpy as np

NTOKEN = 10000; NINP = 600; NHID = 600; NB = 6; BS = NHID // NB; TOPK = 4
ATT_OUT = BS * 4; DK = 64; MH = 4; MDK = 32; SEQ = 70; BATCH = 64

def _rn(k, shape, scale=0.1):
    return (jax.random.normal(k, shape) * scale).astype(jnp.float32)

def setup_inputs(seed: int = 0):
    key = jax.random.key(seed)
    ks = jax.random.split(key, 32)
    inp = {}
    inp['input'] = jax.random.randint(ks[0], (SEQ, BATCH), 0, NTOKEN)
    inp['hidden_h0'] = jax.random.normal(ks[1], (BATCH, NHID), dtype=jnp.float32)
    inp['hidden_c0'] = jax.random.normal(ks[2], (BATCH, NHID), dtype=jnp.float32)
    inp['emb'] = _rn(ks[3], (NTOKEN, NINP))
    inp['iq_w'] = _rn(ks[4], (BS, DK)); inp['iq_b'] = jnp.zeros((DK,), jnp.float32)
    inp['ik_w'] = _rn(ks[5], (NINP, DK)); inp['ik_b'] = jnp.zeros((DK,), jnp.float32)
    inp['iv_w'] = _rn(ks[6], (NINP, ATT_OUT)); inp['iv_b'] = jnp.zeros((ATT_OUT,), jnp.float32)
    inp['lstm_wih'] = _rn(ks[7], (NB, 4 * BS, ATT_OUT))
    inp['lstm_whh'] = _rn(ks[8], (NB, 4 * BS, BS))
    inp['lstm_b'] = jnp.zeros((NB, 4 * BS), jnp.float32)
    inp['mq_w'] = _rn(ks[9], (BS, MH * MDK)); inp['mq_b'] = jnp.zeros((MH * MDK,), jnp.float32)
    inp['mk_w'] = _rn(ks[10], (BS, MH * MDK)); inp['mk_b'] = jnp.zeros((MH * MDK,), jnp.float32)
    inp['mv_w'] = _rn(ks[11], (BS, MH * MDK)); inp['mv_b'] = jnp.zeros((MH * MDK,), jnp.float32)
    inp['mf_w'] = _rn(ks[12], (MH * MDK, BS)); inp['mf_b'] = jnp.zeros((BS,), jnp.float32)
    inp['mg_w'] = _rn(ks[13], (MH * MDK, BS)); inp['mg_b'] = jnp.zeros((BS,), jnp.float32)
    inp['dec_w'] = _rn(ks[14], (NHID, NTOKEN)); inp['dec_b'] = jnp.zeros((NTOKEN,), jnp.float32)
    return inp

def _rnn_forward(input_ids, h0, c0, emb, iq_w, iq_b, ik_w, ik_b, iv_w, iv_b,
                 lstm_wih, lstm_whh, lstm_b, mq_w, mq_b, mk_w, mk_b, mv_w, mv_b,
                 mf_w, mf_b, mg_w, mg_b, dec_w, dec_b):
    # eval mode: dropout = identity
    x = jnp.take(emb, input_ids, axis=0)  # (SEQ, B, NINP) embedding gather
    b = h0.shape[0]

    def step(carry, xt):
        hx, cx = carry
        # --- BlocksCore input attention with null slot (num_modules_read_input=2) ---
        inp_blocks = jnp.stack([jnp.zeros_like(xt), xt], axis=1)             # (b, 2, NINP)
        q = hx.reshape(b, NB, BS) @ iq_w + iq_b                              # (b, NB, DK)
        k = inp_blocks @ ik_w + ik_b                                         # (b, 2, DK)
        v = inp_blocks @ iv_w + iv_b                                         # (b, 2, ATT_OUT)
        scores = jnp.einsum('bnd,bmd->bnm', q, k) / float(np.sqrt(DK))
        iatt = jax.nn.softmax(scores, axis=-1)                               # (b, NB, 2)
        inp_use = jnp.einsum('bnm,bmv->bnv', iatt, v)                        # (b, NB, ATT_OUT)
        # --- top-k block activation: blocks with largest null-attention are masked off ---
        null_att = iatt[:, :, 0]
        _, bottomk = jax.lax.top_k(null_att, NB - TOPK)
        mask = jnp.ones((b, NB), jnp.float32).at[jnp.arange(b)[:, None], bottomk].set(0.0)
        mask = jax.lax.stop_gradient(mask)
        # --- block-diagonal LSTM (BlockLSTM with blockified params) ---
        h_b = hx.reshape(b, NB, BS); c_b = cx.reshape(b, NB, BS)
        gates = (jnp.einsum('bnv,ngv->bng', inp_use, lstm_wih)
                 + jnp.einsum('bnh,ngh->bng', h_b, lstm_whh) + lstm_b)
        gi, gf, gg, go = jnp.split(gates, 4, axis=-1)
        c_new = jax.nn.sigmoid(gf) * c_b + jax.nn.sigmoid(gi) * jnp.tanh(gg)
        h_new = jax.nn.sigmoid(go) * jnp.tanh(c_new)
        # --- communication attention between blocks (blocked_grad: fwd identity, bwd masked) ---
        mb = mask[:, :, None]
        h_in = mb * h_new + jax.lax.stop_gradient((1.0 - mb) * h_new)
        q2 = (h_in @ mq_w + mq_b).reshape(b, NB, MH, MDK)
        k2 = (h_in @ mk_w + mk_b).reshape(b, NB, MH, MDK)
        v2 = (h_in @ mv_w + mv_b).reshape(b, NB, MH, MDK)
        s2 = jnp.einsum('bnhd,bmhd->bhnm', q2, k2) / float(np.sqrt(MDK))
        a2 = jax.nn.softmax(s2, axis=-1)
        o2 = jnp.einsum('bhnm,bmhd->bnhd', a2, v2).reshape(b, NB, MH * MDK)
        att_update = jax.nn.sigmoid(o2 @ mg_w + mg_b) * jnp.tanh(o2 @ mf_w + mf_b)
        h_new = h_new + att_update
        # --- gated state update: inactive blocks keep old hidden/cell state ---
        hx_out = (mb * h_new + (1.0 - mb) * h_b).reshape(b, NHID)
        cx_out = (mb * c_new + (1.0 - mb) * c_b).reshape(b, NHID)
        return (hx_out, cx_out), hx_out

    (hT, cT), outs = jax.lax.scan(step, (h0, c0), x)
    logits = outs.reshape(-1, NHID) @ dec_w + dec_b
    return logits.reshape(outs.shape[0], outs.shape[1], NTOKEN)

def reference(input, hidden_h0, hidden_c0, emb, iq_w, iq_b, ik_w, ik_b, iv_w, iv_b,
              lstm_wih, lstm_whh, lstm_b, mq_w, mq_b, mk_w, mk_b, mv_w, mv_b,
              mf_w, mf_b, mg_w, mg_b, dec_w, dec_b):
    return _rnn_forward(input, hidden_h0, hidden_c0, emb, iq_w, iq_b, ik_w, ik_b, iv_w, iv_b,
                        lstm_wih, lstm_whh, lstm_b, mq_w, mq_b, mk_w, mk_b, mv_w, mv_b,
                        mf_w, mf_b, mg_w, mg_b, dec_w, dec_b)

if __name__ == "__main__":
    import jax
    _d = setup_inputs()
    print(jax.jit(kernel)(*tuple(_d.values())))

</pallas_src>

<mosaic_0001>
#map = affine_map<(d0, d1) -> (0, 0)>
#map1 = affine_map<(d0, d1) -> (0)>
module attributes {stable_mosaic.version = 14 : i64} {
  func.func @k(%arg0: i32, %arg1: i32, %arg2: memref<10000x640xf32, #tpu.memory_space<hbm>>, %arg3: memref<4608xi32, #tpu.memory_space<hbm>>, %arg4: memref<4608x640xf32, #tpu.memory_space<hbm>>, %arg5: memref<144xi32, #tpu.memory_space<vmem>>, %arg6: memref<144x640xf32, #tpu.memory_space<vmem>>, %arg7: memref<!tpu.dma_semaphore, #tpu.memory_space<semaphore_mem>>) attributes {dimension_semantics = [#tpu.dimension_semantics<core_parallel>, #tpu.dimension_semantics<subcore_parallel>], iteration_bounds = array<i64: 2, 16>, scalar_prefetch = 0 : i64, scratch_operands = 3 : i64, tpu.core_type = #tpu.core_type<sc_vector_subcore>, window_params = [{transform_indices = #map}, {transform_indices = #map1}, {transform_indices = #map}]} {
    %mul3A = arith.constant 2 : i32
    %mul3A_0 = arith.muli %arg1, %mul3A : i32
    %add3A = arith.addi %mul3A_0, %arg0 : i32
    %mul3A_1 = arith.constant 144 : i32
    %mul3A_2 = arith.muli %add3A, %mul3A_1 : i32
    "tpu.region"() ({
      %run_scoped3A = tpu.sem_alloc : memref<!tpu.dma_semaphore, #tpu.memory_space<semaphore_mem>>
      %dma_start3A_7 = tpu.memref_slice %arg3[%mul3A_2] : memref<4608xi32, #tpu.memory_space<hbm>> -> memref<144xi32, #tpu.memory_space<hbm>>
      %dma_start3A_8 = tpu.memref_slice %arg3[%mul3A_2] : memref<4608xi32, #tpu.memory_space<hbm>> -> memref<144xi32, #tpu.memory_space<hbm>>
      tpu.enqueue_dma source(%dma_start3A_8 : memref<144xi32, #tpu.memory_space<hbm>>) target(%arg5 : memref<144xi32, #tpu.memory_space<vmem>>) target_semaphore(%run_scoped3A : memref<!tpu.dma_semaphore, #tpu.memory_space<semaphore_mem>>)
      %dma_wait3A_9 = tpu.memref_slice %arg3[%mul3A_2] : memref<4608xi32, #tpu.memory_space<hbm>> -> memref<144xi32, #tpu.memory_space<hbm>>
      %dma_wait3A_10 = tpu.memref_slice %arg3[%mul3A_2] : memref<4608xi32, #tpu.memory_space<hbm>> -> memref<144xi32, #tpu.memory_space<hbm>>
      tpu.wait_dma2 semaphore(%run_scoped3A : memref<!tpu.dma_semaphore, #tpu.memory_space<semaphore_mem>>) src(%dma_wait3A_10 : memref<144xi32, #tpu.memory_space<hbm>>) dst(%arg5 : memref<144xi32, #tpu.memory_space<vmem>>)
      tpu.yield
    }) : () -> ()
    %dma_start3A = arith.constant 0 : i32
    %dma_start3A_3 = arith.constant 0 : i32
    %dma_start3A_4 = tpu.memref_slice %arg2[%dma_start3A, %dma_start3A_3] : memref<10000x640xf32, #tpu.memory_space<hbm>> -> memref<10000x640xf32, #tpu.memory_space<hbm>>
    tpu.enqueue_indirect_dma source(%dma_start3A_4 : memref<10000x640xf32, #tpu.memory_space<hbm>>) target(%arg6 : memref<144x640xf32, #tpu.memory_space<vmem>>) offsets(%arg5 : memref<144xi32, #tpu.memory_space<vmem>>) semaphore(%arg7 : memref<!tpu.dma_semaphore, #tpu.memory_space<semaphore_mem>>)
    %dma_wait3A = arith.constant 0 : i32
    %dma_wait3A_5 = arith.constant 0 : i32
    %dma_wait3A_6 = tpu.memref_slice %arg2[%dma_wait3A, %dma_wait3A_5] : memref<10000x640xf32, #tpu.memory_space<hbm>> -> memref<10000x640xf32, #tpu.memory_space<hbm>>
    tpu.wait_indirect_dma semaphore(%arg7 : memref<!tpu.dma_semaphore, #tpu.memory_space<semaphore_mem>>) src(%dma_wait3A_6 : memref<10000x640xf32, #tpu.memory_space<hbm>>) dst(%arg6 : memref<144x640xf32, #tpu.memory_space<vmem>>)
    "tpu.region"() ({
      %run_scoped3A = tpu.sem_alloc : memref<!tpu.dma_semaphore, #tpu.memory_space<semaphore_mem>>
      %dma_start3A_7 = arith.constant 0 : i32
      %dma_start3A_8 = tpu.memref_slice %arg4[%mul3A_2, %dma_start3A_7] : memref<4608x640xf32, #tpu.memory_space<hbm>> -> memref<144x640xf32, #tpu.memory_space<hbm>>
      %dma_start3A_9 = arith.constant 0 : i32
      %dma_start3A_10 = tpu.memref_slice %arg4[%mul3A_2, %dma_start3A_9] : memref<4608x640xf32, #tpu.memory_space<hbm>> -> memref<144x640xf32, #tpu.memory_space<hbm>>
      tpu.enqueue_dma source(%arg6 : memref<144x640xf32, #tpu.memory_space<vmem>>) target(%dma_start3A_10 : memref<144x640xf32, #tpu.memory_space<hbm>>) target_semaphore(%run_scoped3A : memref<!tpu.dma_semaphore, #tpu.memory_space<semaphore_mem>>)
      %dma_wait3A_11 = arith.constant 0 : i32
      %dma_wait3A_12 = tpu.memref_slice %arg4[%mul3A_2, %dma_wait3A_11] : memref<4608x640xf32, #tpu.memory_space<hbm>> -> memref<144x640xf32, #tpu.memory_space<hbm>>
      %dma_wait3A_13 = arith.constant 0 : i32
      %dma_wait3A_14 = tpu.memref_slice %arg4[%mul3A_2, %dma_wait3A_13] : memref<4608x640xf32, #tpu.memory_space<hbm>> -> memref<144x640xf32, #tpu.memory_space<hbm>>
      tpu.wait_dma2 semaphore(%run_scoped3A : memref<!tpu.dma_semaphore, #tpu.memory_space<semaphore_mem>>) src(%arg6 : memref<144x640xf32, #tpu.memory_space<vmem>>) dst(%dma_wait3A_14 : memref<144x640xf32, #tpu.memory_space<hbm>>)
      tpu.yield
    }) : () -> ()
    return
  }
}

module attributes {stable_mosaic.version = 14 : i64} {
  func.func @_core_kernel(%arg0: memref<64x600xf32, #tpu.memory_space<vmem>>, %arg1: memref<64x600xf32, #tpu.memory_space<vmem>>, %arg2: memref<64x2400xf32, #tpu.memory_space<vmem>>, %arg3: memref<6x400x400xf32, #tpu.memory_space<vmem>>, %arg4: memref<6x400x100xf32, #tpu.memory_space<vmem>>, %arg5: memref<6x1x400xf32, #tpu.memory_space<vmem>>, %arg6: memref<100x384xf32, #tpu.memory_space<vmem>>, %arg7: memref<1x384xf32, #tpu.memory_space<vmem>>, %arg8: memref<64x3504xf32, #tpu.memory_space<vmem>>) attributes {dimension_semantics = [], scalar_prefetch = 0 : i64, scratch_operands = 0 : i64, tpu.core_type = #tpu.core_type<tc>} {
    %get3A = arith.constant 0 : index
    %get3A_0 = arith.constant 0 : index
    %get3A_1 = vector.load %arg0[%get3A, %get3A_0] : memref<64x600xf32, #tpu.memory_space<vmem>>, vector<64x100xf32>
    %get3A_2 = arith.constant 0 : index
    %get3A_3 = arith.constant 0 : index
    %get3A_4 = vector.load %arg1[%get3A_2, %get3A_3] : memref<64x600xf32, #tpu.memory_space<vmem>>, vector<64x100xf32>
    %get3A_5 = arith.constant 0 : index
    %get3A_6 = arith.constant 0 : index
    %get3A_7 = vector.load %arg2[%get3A_5, %get3A_6] : memref<64x2400xf32, #tpu.memory_space<vmem>>, vector<64x400xf32>
    %get3A_8 = arith.constant 0 : index
    %get3A_9 = arith.constant 0 : index
    %get3A_10 = arith.constant 0 : index
    %get3A_11 = vector.load %arg4[%get3A_8, %get3A_9, %get3A_10] : memref<6x400x100xf32, #tpu.memory_space<vmem>>, vector<1x400x100xf32>
    %get3A_12 = vector.shape_cast %get3A_11 : vector<1x400x100xf32> to vector<400x100xf32>
    %convert_element_type3A = arith.truncf %get3A_1 : vector<64x100xf32> to vector<64x100xbf16>
    %convert_element_type3A_13 = arith.truncf %get3A_12 : vector<400x100xf32> to vector<400x100xbf16>
    %dot_general3A = arith.constant dense<0.000000e+00> : vector<64x400xf32>
    %dot_general3A_14 = tpu.matmul %convert_element_type3A, %convert_element_type3A_13, %dot_general3A {dimension_numbers = #tpu.dot_dimension_numbers<[1], [1], [0], [0], [0, 0, 1, 0], [], []>, transpose_lhs_hint = false} : vector<64x100xbf16>, vector<400x100xbf16>, vector<64x400xf32> -> vector<64x400xf32>
    %get3A_15 = arith.constant 0 : index
    %get3A_16 = arith.constant 0 : index
    %get3A_17 = arith.constant 0 : index
    %get3A_18 = vector.load %arg3[%get3A_15, %get3A_16, %get3A_17] : memref<6x400x400xf32, #tpu.memory_space<vmem>>, vector<1x400x400xf32>
    %get3A_19 = vector.shape_cast %get3A_18 : vector<1x400x400xf32> to vector<400x400xf32>
    %convert_element_type3A_20 = arith.truncf %get3A_7 : vector<64x400xf32> to vector<64x400xbf16>
    %convert_element_type3A_21 = arith.truncf %get3A_19 : vector<400x400xf32> to vector<400x400xbf16>
    %dot_general3A_22 = arith.constant dense<0.000000e+00> : vector<64x400xf32>
    %dot_general3A_23 = tpu.matmul %convert_element_type3A_20, %convert_element_type3A_21, %dot_general3A_22 {dimension_numbers = #tpu.dot_dimension_numbers<[1], [1], [0], [0], [0, 0, 1, 0], [], []>, transpose_lhs_hint = false} : vector<64x400xbf16>, vector<400x400xbf16>, vector<64x400xf32> -> vector<64x400xf32>
    %add3A = arith.addf %dot_general3A_14, %dot_general3A_23 : vector<64x400xf32>
    %get3A_24 = arith.constant 0 : index
    %get3A_25 = arith.constant 0 : index
    %get3A_26 = arith.constant 0 : index
    %get3A_27 = vector.load %arg5[%get3A_24, %get3A_25, %get3A_26] : memref<6x1x400xf32, #tpu.memory_space<vmem>>, vector<1x1x400xf32>
    %get3A_28 = vector.shape_cast %get3A_27 : vector<1x1x400xf32> to vector<1x400xf32>
    %add3A_29 = vector.broadcast %get3A_28 : vector<1x400xf32> to vector<64x400xf32>
    %add3A_30 = arith.addf %add3A, %add3A_29 : vector<64x400xf32>
    %slice3A = vector.extract_strided_slice %add3A_30 {offsets = [0, 0], sizes = [64, 100], strides = [1, 1]} : vector<64x400xf32> to vector<64x100xf32>
    %slice3A_31 = vector.extract_strided_slice %add3A_30 {offsets = [0, 100], sizes = [64, 100], strides = [1, 1]} : vector<64x400xf32> to vector<64x100xf32>
    %slice3A_32 = vector.extract_strided_slice %add3A_30 {offsets = [0, 200], sizes = [64, 100], strides = [1, 1]} : vector<64x400xf32> to vector<64x100xf32>
    %slice3A_33 = vector.extract_strided_slice %add3A_30 {offsets = [0, 300], sizes = [64, 100], strides = [1, 1]} : vector<64x400xf32> to vector<64x100xf32>
    %logistic3A = arith.negf %slice3A_31 : vector<64x100xf32>
    %logistic3A_34 = math.exp %logistic3A : vector<64x100xf32>
    %logistic3A_35 = arith.constant 1.000000e+00 : f32
    %logistic3A_36 = vector.broadcast %logistic3A_35 : f32 to vector<64x100xf32>
    %logistic3A_37 = arith.addf %logistic3A_36, %logistic3A_34 : vector<64x100xf32>
    %logistic3A_38 = arith.divf %logistic3A_36, %logistic3A_37 : vector<64x100xf32>
    %mul3A = arith.mulf %logistic3A_38, %get3A_4 : vector<64x100xf32>
    %logistic3A_39 = arith.negf %slice3A : vector<64x100xf32>
    %logistic3A_40 = math.exp %logistic3A_39 : vector<64x100xf32>
    %logistic3A_41 = arith.constant 1.000000e+00 : f32
    %logistic3A_42 = vector.broadcast %logistic3A_41 : f32 to vector<64x100xf32>
    %logistic3A_43 = arith.addf %logistic3A_42, %logistic3A_40 : vector<64x100xf32>
    %logistic3A_44 = arith.divf %logistic3A_42, %logistic3A_43 : vector<64x100xf32>
    %tanh3A = math.tanh %slice3A_32 : vector<64x100xf32>
    %mul3A_45 = arith.mulf %logistic3A_44, %tanh3A : vector<64x100xf32>
    %add3A_46 = arith.addf %mul3A, %mul3A_45 : vector<64x100xf32>
    %logistic3A_47 = arith.negf %slice3A_33 : vector<64x100xf32>
    %logistic3A_48 = math.exp %logistic3A_47 : vector<64x100xf32>
    %logistic3A_49 = arith.constant 1.000000e+00 : f32
    %logistic3A_50 = vector.broadcast %logistic3A_49 : f32 to vector<64x100xf32>
    %logistic3A_51 = arith.addf %logistic3A_50, %logistic3A_48 : vector<64x100xf32>
    %logistic3A_52 = arith.divf %logistic3A_50, %logistic3A_51 : vector<64x100xf32>
    %tanh3A_53 = math.tanh %add3A_46 : vector<64x100xf32>
    %mul3A_54 = arith.mulf %logistic3A_52, %tanh3A_53 : vector<64x100xf32>
    %swap3A = arith.constant 0 : index
    %swap3A_55 = arith.constant 0 : index
    %swap3A_56 = vector.load %arg8[%swap3A, %swap3A_55] : memref<64x3504xf32, #tpu.memory_space<vmem>>, vector<64x100xf32>
    tpu.vector_store %arg8[%swap3A, %swap3A_55], %mul3A_54 {strides = array<i32>} : memref<64x3504xf32, #tpu.memory_space<vmem>>, vector<64x100xf32>,
    %swap3A_57 = arith.constant 0 : index
    %swap3A_58 = arith.constant 600 : index
    %swap3A_59 = vector.load %arg8[%swap3A_57, %swap3A_58] : memref<64x3504xf32, #tpu.memory_space<vmem>>, vector<64x100xf32>
    tpu.vector_store %arg8[%swap3A_57, %swap3A_58], %add3A_46 {strides = array<i32>} : memref<64x3504xf32, #tpu.memory_space<vmem>>, vector<64x100xf32>,
    %get3A_60 = arith.constant 0 : index
    %get3A_61 = arith.constant 0 : index
    %get3A_62 = vector.load %arg6[%get3A_60, %get3A_61] : memref<100x384xf32, #tpu.memory_space<vmem>>, vector<100x384xf32>
    %convert_element_type3A_63 = arith.truncf %mul3A_54 : vector<64x100xf32> to vector<64x100xbf16>
    %convert_element_type3A_64 = arith.truncf %get3A_62 : vector<100x384xf32> to vector<100x384xbf16>
    %dot_general3A_65 = arith.constant dense<0.000000e+00> : vector<64x384xf32>
    %dot_general3A_66 = tpu.matmul %convert_element_type3A_63, %convert_element_type3A_64, %dot_general3A_65 {dimension_numbers = #tpu.dot_dimension_numbers<[1], [0], [0], [1], [0, 0, 1, 1], [], []>, transpose_lhs_hint = false} : vector<64x100xbf16>, vector<100x384xbf16>, vector<64x384xf32> -> vector<64x384xf32>
    %get3A_67 = arith.constant 0 : index
    %get3A_68 = arith.constant 0 : index
    %get3A_69 = vector.load %arg7[%get3A_67, %get3A_68] : memref<1x384xf32, #tpu.memory_space<vmem>>, vector<1x384xf32>
    %add3A_70 = vector.broadcast %get3A_69 : vector<1x384xf32> to vector<64x384xf32>
    %add3A_71 = arith.addf %dot_general3A_66, %add3A_70 : vector<64x384xf32>
    %swap3A_72 = arith.constant 0 : index
    %swap3A_73 = arith.constant 1200 : index
    %swap3A_74 = vector.load %arg8[%swap3A_72, %swap3A_73] : memref<64x3504xf32, #tpu.memory_space<vmem>>, vector<64x384xf32>
    tpu.vector_store %arg8[%swap3A_72, %swap3A_73], %add3A_71 {strides = array<i32>} : memref<64x3504xf32, #tpu.memory_space<vmem>>, vector<64x384xf32>,
    %get3A_75 = arith.constant 0 : index
    %get3A_76 = arith.constant 100 : index
    %get3A_77 = vector.load %arg0[%get3A_75, %get3A_76] : memref<64x600xf32, #tpu.memory_space<vmem>>, vector<64x100xf32>
    %get3A_78 = arith.constant 0 : index
    %get3A_79 = arith.constant 100 : index
    %get3A_80 = vector.load %arg1[%get3A_78, %get3A_79] : memref<64x600xf32, #tpu.memory_space<vmem>>, vector<64x100xf32>
    %get3A_81 = arith.constant 0 : index
    %get3A_82 = arith.constant 400 : index
    %get3A_83 = vector.load %arg2[%get3A_81, %get3A_82] : memref<64x2400xf32, #tpu.memory_space<vmem>>, vector<64x400xf32>
    %get3A_84 = arith.constant 1 : index
    %get3A_85 = arith.constant 0 : index
    %get3A_86 = arith.constant 0 : index
    %get3A_87 = vector.load %arg4[%get3A_84, %get3A_85, %get3A_86] : memref<6x400x100xf32, #tpu.memory_space<vmem>>, vector<1x400x100xf32>
    %get3A_88 = vector.shape_cast %get3A_87 : vector<1x400x100xf32> to vector<400x100xf32>
    %convert_element_type3A_89 = arith.truncf %get3A_77 : vector<64x100xf32> to vector<64x100xbf16>
    %convert_element_type3A_90 = arith.truncf %get3A_88 : vector<400x100xf32> to vector<400x100xbf16>
    %dot_general3A_91 = arith.constant dense<0.000000e+00> : vector<64x400xf32>
    %dot_general3A_92 = tpu.matmul %convert_element_type3A_89, %convert_element_type3A_90, %dot_general3A_91 {dimension_numbers = #tpu.dot_dimension_numbers<[1], [1], [0], [0], [0, 0, 1, 0], [], []>, transpose_lhs_hint = false} : vector<64x100xbf16>, vector<400x100xbf16>, vector<64x400xf32> -> vector<64x400xf32>
    %get3A_93 = arith.constant 1 : index
    %get3A_94 = arith.constant 0 : index
    %get3A_95 = arith.constant 0 : index
    %get3A_96 = vector.load %arg3[%get3A_93, %get3A_94, %get3A_95] : memref<6x400x400xf32, #tpu.memory_space<vmem>>, vector<1x400x400xf32>
    %get3A_97 = vector.shape_cast %get3A_96 : vector<1x400x400xf32> to vector<400x400xf32>
    %convert_element_type3A_98 = arith.truncf %get3A_83 : vector<64x400xf32> to vector<64x400xbf16>
    %convert_element_type3A_99 = arith.truncf %get3A_97 : vector<400x400xf32> to vector<400x400xbf16>
    %dot_general3A_100 = arith.constant dense<0.000000e+00> : vector<64x400xf32>
    %dot_general3A_101 = tpu.matmul %convert_element_type3A_98, %convert_element_type3A_99, %dot_general3A_100 {dimension_numbers = #tpu.dot_dimension_numbers<[1], [1], [0], [0], [0, 0, 1, 0], [], []>, transpose_lhs_hint = false} : vector<64x400xbf16>, vector<400x400xbf16>, vector<64x400xf32> -> vector<64x400xf32>
    %add3A_102 = arith.addf %dot_general3A_92, %dot_general3A_101 : vector<64x400xf32>
    %get3A_103 = arith.constant 1 : index
    %get3A_104 = arith.constant 0 : index
    %get3A_105 = arith.constant 0 : index
    %get3A_106 = vector.load %arg5[%get3A_103, %get3A_104, %get3A_105] : memref<6x1x400xf32, #tpu.memory_space<vmem>>, vector<1x1x400xf32>
    %get3A_107 = vector.shape_cast %get3A_106 : vector<1x1x400xf32> to vector<1x400xf32>
    %add3A_108 = vector.broadcast %get3A_107 : vector<1x400xf32> to vector<64x400xf32>
    %add3A_109 = arith.addf %add3A_102, %add3A_108 : vector<64x400xf32>
    %slice3A_110 = vector.extract_strided_slice %add3A_109 {offsets = [0, 0], sizes = [64, 100], strides = [1, 1]} : vector<64x400xf32> to vector<64x100xf32>
    %slice3A_111 = vector.extract_strided_slice %add3A_109 {offsets = [0, 100], sizes = [64, 100], strides = [1, 1]} : vector<64x400xf32> to vector<64x100xf32>
    %slice3A_112 = vector.extract_strided_slice %add3A_109 {offsets = [0, 200], sizes = [64, 100], strides = [1, 1]} : vector<64x400xf32> to vector<64x100xf32>
    %slice3A_113 = vector.extract_strided_slice %add3A_109 {offsets = [0, 300], sizes = [64, 100], strides = [1, 1]} : vector<64x400xf32> to vector<64x100xf32>
    %logistic3A_114 = arith.negf %slice3A_111 : vector<64x100xf32>
    %logistic3A_115 = math.exp %logistic3A_114 : vector<64x100xf32>
    %logistic3A_116 = arith.constant 1.000000e+00 : f32
    %logistic3A_117 = vector.broadcast %logistic3A_116 : f32 to vector<64x100xf32>
    %logistic3A_118 = arith.addf %logistic3A_117, %logistic3A_115 : vector<64x100xf32>
    %logistic3A_119 = arith.divf %logistic3A_117, %logistic3A_118 : vector<64x100xf32>
    %mul3A_120 = arith.mulf %logistic3A_119, %get3A_80 : vector<64x100xf32>
    %logistic3A_121 = arith.negf %slice3A_110 : vector<64x100xf32>
    %logistic3A_122 = math.exp %logistic3A_121 : vector<64x100xf32>
    %logistic3A_123 = arith.constant 1.000000e+00 : f32
    %logistic3A_124 = vector.broadcast %logistic3A_123 : f32 to vector<64x100xf32>
    %logistic3A_125 = arith.addf %logistic3A_124, %logistic3A_122 : vector<64x100xf32>
    %logistic3A_126 = arith.divf %logistic3A_124, %logistic3A_125 : vector<64x100xf32>
    %tanh3A_127 = math.tanh %slice3A_112 : vector<64x100xf32>
    %mul3A_128 = arith.mulf %logistic3A_126, %tanh3A_127 : vector<64x100xf32>
    %add3A_129 = arith.addf %mul3A_120, %mul3A_128 : vector<64x100xf32>
    %logistic3A_130 = arith.negf %slice3A_113 : vector<64x100xf32>
    %logistic3A_131 = math.exp %logistic3A_130 : vector<64x100xf32>
    %logistic3A_132 = arith.constant 1.000000e+00 : f32
    %logistic3A_133 = vector.broadcast %logistic3A_132 : f32 to vector<64x100xf32>
    %logistic3A_134 = arith.addf %logistic3A_133, %logistic3A_131 : vector<64x100xf32>
    %logistic3A_135 = arith.divf %logistic3A_133, %logistic3A_134 : vector<64x100xf32>
    %tanh3A_136 = math.tanh %add3A_129 : vector<64x100xf32>
    %mul3A_137 = arith.mulf %logistic3A_135, %tanh3A_136 : vector<64x100xf32>
    %swap3A_138 = arith.constant 0 : index
    %swap3A_139 = arith.constant 100 : index
    %swap3A_140 = vector.load %arg8[%swap3A_138, %swap3A_139] : memref<64x3504xf32, #tpu.memory_space<vmem>>, vector<64x100xf32>
    tpu.vector_store %arg8[%swap3A_138, %swap3A_139], %mul3A_137 {strides = array<i32>} : memref<64x3504xf32, #tpu.memory_space<vmem>>, vector<64x100xf32>,
    %swap3A_141 = arith.constant 0 : index
    %swap3A_142 = arith.constant 700 : index
    %swap3A_143 = vector.load %arg8[%swap3A_141, %swap3A_142] : memref<64x3504xf32, #tpu.memory_space<vmem>>, vector<64x100xf32>
    tpu.vector_store %arg8[%swap3A_141, %swap3A_142], %add3A_129 {strides = array<i32>} : memref<64x3504xf32, #tpu.memory_space<vmem>>, vector<64x100xf32>,
    %get3A_144 = arith.constant 0 : index
    %get3A_145 = arith.constant 0 : index
    %get3A_146 = vector.load %arg6[%get3A_144, %get3A_145] : memref<100x384xf32, #tpu.memory_space<vmem>>, vector<100x384xf32>
    %convert_element_type3A_147 = arith.truncf %mul3A_137 : vector<64x100xf32> to vector<64x100xbf16>
    %convert_element_type3A_148 = arith.truncf %get3A_146 : vector<100x384xf32> to vector<100x384xbf16>
    %dot_general3A_149 = arith.constant dense<0.000000e+00> : vector<64x384xf32>
    %dot_general3A_150 = tpu.matmul %convert_element_type3A_147, %convert_element_type3A_148, %dot_general3A_149 {dimension_numbers = #tpu.dot_dimension_numbers<[1], [0], [0], [1], [0, 0, 1, 1], [], []>, transpose_lhs_hint = false} : vector<64x100xbf16>, vector<100x384xbf16>, vector<64x384xf32> -> vector<64x384xf32>
    %get3A_151 = arith.constant 0 : index
    %get3A_152 = arith.constant 0 : index
    %get3A_153 = vector.load %arg7[%get3A_151, %get3A_152] : memref<1x384xf32, #tpu.memory_space<vmem>>, vector<1x384xf32>
    %add3A_154 = vector.broadcast %get3A_153 : vector<1x384xf32> to vector<64x384xf32>
    %add3A_155 = arith.addf %dot_general3A_150, %add3A_154 : vector<64x384xf32>
    %swap3A_156 = arith.constant 0 : index
    %swap3A_157 = arith.constant 1584 : index
    %swap3A_158 = vector.load %arg8[%swap3A_156, %swap3A_157] : memref<64x3504xf32, #tpu.memory_space<vmem>>, vector<64x384xf32>
    tpu.vector_store %arg8[%swap3A_156, %swap3A_157], %add3A_155 {strides = array<i32>} : memref<64x3504xf32, #tpu.memory_space<vmem>>, vector<64x384xf32>,
    %get3A_159 = arith.constant 0 : index
    %get3A_160 = arith.constant 200 : index
    %get3A_161 = vector.load %arg0[%get3A_159, %get3A_160] : memref<64x600xf32, #tpu.memory_space<vmem>>, vector<64x100xf32>
    %get3A_162 = arith.constant 0 : index
    %get3A_163 = arith.constant 200 : index
    %get3A_164 = vector.load %arg1[%get3A_162, %get3A_163] : memref<64x600xf32, #tpu.memory_space<vmem>>, vector<64x100xf32>
    %get3A_165 = arith.constant 0 : index
    %get3A_166 = arith.constant 800 : index
    %get3A_167 = vector.load %arg2[%get3A_165, %get3A_166] : memref<64x2400xf32, #tpu.memory_space<vmem>>, vector<64x400xf32>
    %get3A_168 = arith.constant 2 : index
    %get3A_169 = arith.constant 0 : index
    %get3A_170 = arith.constant 0 : index
    %get3A_171 = vector.load %arg4[%get3A_168, %get3A_169, %get3A_170] : memref<6x400x100xf32, #tpu.memory_space<vmem>>, vector<1x400x100xf32>
    %get3A_172 = vector.shape_cast %get3A_171 : vector<1x400x100xf32> to vector<400x100xf32>
    %convert_element_type3A_173 = arith.truncf %get3A_161 : vector<64x100xf32> to vector<64x100xbf16>
    %convert_element_type3A_174 = arith.truncf %get3A_172 : vector<400x100xf32> to vector<400x100xbf16>
    %dot_general3A_175 = arith.constant dense<0.000000e+00> : vector<64x400xf32>
    %dot_general3A_176 = tpu.matmul %convert_element_type3A_173, %convert_element_type3A_174, %dot_general3A_175 {dimension_numbers = #tpu.dot_dimension_numbers<[1], [1], [0], [0], [0, 0, 1, 0], [], []>, transpose_lhs_hint = false} : vector<64x100xbf16>, vector<400x100xbf16>, vector<64x400xf32> -> vector<64x400xf32>
    %get3A_177 = arith.constant 2 : index
    %get3A_178 = arith.constant 0 : index
    %get3A_179 = arith.constant 0 : index
    %get3A_180 = vector.load %arg3[%get3A_177, %get3A_178, %get3A_179] : memref<6x400x400xf32, #tpu.memory_space<vmem>>, vector<1x400x400xf32>
    %get3A_181 = vector.shape_cast %get3A_180 : vector<1x400x400xf32> to vector<400x400xf32>
    %convert_element_type3A_182 = arith.truncf %get3A_167 : vector<64x400xf32> to vector<64x400xbf16>
    %convert_element_type3A_183 = arith.truncf %get3A_181 : vector<400x400xf32> to vector<400x400xbf16>
    %dot_general3A_184 = arith.constant dense<0.000000e+00> : vector<64x400xf32>
    %dot_general3A_185 = tpu.matmul %convert_element_type3A_182, %convert_element_type3A_183, %dot_general3A_184 {dimension_numbers = #tpu.dot_dimension_numbers<[1], [1], [0], [0], [0, 0, 1, 0], [], []>, transpose_lhs_hint = false} : vector<64x400xbf16>, vector<400x400xbf16>, vector<64x400xf32> -> vector<64x400xf32>
    %add3A_186 = arith.addf %dot_general3A_176, %dot_general3A_185 : vector<64x400xf32>
    %get3A_187 = arith.constant 2 : index
    %get3A_188 = arith.constant 0 : index
    %get3A_189 = arith.constant 0 : index
    %get3A_190 = vector.load %arg5[%get3A_187, %get3A_188, %get3A_189] : memref<6x1x400xf32, #tpu.memory_space<vmem>>, vector<1x1x400xf32>
    %get3A_191 = vector.shape_cast %get3A_190 : vector<1x1x400xf32> to vector<1x400xf32>
    %add3A_192 = vector.broadcast %get3A_191 : vector<1x400xf32> to vector<64x400xf32>
    %add3A_193 = arith.addf %add3A_186, %add3A_192 : vector<64x400xf32>
    %slice3A_194 = vector.extract_strided_slice %add3A_193 {offsets = [0, 0], sizes = [64, 100], strides = [1, 1]} : vector<64x400xf32> to vector<64x100xf32>
    %slice3A_195 = vector.extract_strided_slice %add3A_193 {offsets = [0, 100], sizes = [64, 100], strides = [1, 1]} : vector<64x400xf32> to vector<64x100xf32>
    %slice3A_196 = vector.extract_strided_slice %add3A_193 {offsets = [0, 200], sizes = [64, 100], strides = [1, 1]} : vector<64x400xf32> to vector<64x100xf32>
    %slice3A_197 = vector.extract_strided_slice %add3A_193 {offsets = [0, 300], sizes = [64, 100], strides = [1, 1]} : vector<64x400xf32> to vector<64x100xf32>
    %logistic3A_198 = arith.negf %slice3A_195 : vector<64x100xf32>
    %logistic3A_199 = math.exp %logistic3A_198 : vector<64x100xf32>
    %logistic3A_200 = arith.constant 1.000000e+00 : f32
    %logistic3A_201 = vector.broadcast %logistic3A_200 : f32 to vector<64x100xf32>
    %logistic3A_202 = arith.addf %logistic3A_201, %logistic3A_199 : vector<64x100xf32>
    %logistic3A_203 = arith.divf %logistic3A_201, %logistic3A_202 : vector<64x100xf32>
    %mul3A_204 = arith.mulf %logistic3A_203, %get3A_164 : vector<64x100xf32>
    %logistic3A_205 = arith.negf %slice3A_194 : vector<64x100xf32>
    %logistic3A_206 = math.exp %logistic3A_205 : vector<64x100xf32>
    %logistic3A_207 = arith.constant 1.000000e+00 : f32
    %logistic3A_208 = vector.broadcast %logistic3A_207 : f32 to vector<64x100xf32>
    %logistic3A_209 = arith.addf %logistic3A_208, %logistic3A_206 : vector<64x100xf32>
    %logistic3A_210 = arith.divf %logistic3A_208, %logistic3A_209 : vector<64x100xf32>
    %tanh3A_211 = math.tanh %slice3A_196 : vector<64x100xf32>
    %mul3A_212 = arith.mulf %logistic3A_210, %tanh3A_211 : vector<64x100xf32>
    %add3A_213 = arith.addf %mul3A_204, %mul3A_212 : vector<64x100xf32>
    %logistic3A_214 = arith.negf %slice3A_197 : vector<64x100xf32>
    %logistic3A_215 = math.exp %logistic3A_214 : vector<64x100xf32>
    %logistic3A_216 = arith.constant 1.000000e+00 : f32
    %logistic3A_217 = vector.broadcast %logistic3A_216 : f32 to vector<64x100xf32>
    %logistic3A_218 = arith.addf %logistic3A_217, %logistic3A_215 : vector<64x100xf32>
    %logistic3A_219 = arith.divf %logistic3A_217, %logistic3A_218 : vector<64x100xf32>
    %tanh3A_220 = math.tanh %add3A_213 : vector<64x100xf32>
    %mul3A_221 = arith.mulf %logistic3A_219, %tanh3A_220 : vector<64x100xf32>
    %swap3A_222 = arith.constant 0 : index
    %swap3A_223 = arith.constant 200 : index
    %swap3A_224 = vector.load %arg8[%swap3A_222, %swap3A_223] : memref<64x3504xf32, #tpu.memory_space<vmem>>, vector<64x100xf32>
    tpu.vector_store %arg8[%swap3A_222, %swap3A_223], %mul3A_221 {strides = array<i32>} : memref<64x3504xf32, #tpu.memory_space<vmem>>, vector<64x100xf32>,
    %swap3A_225 = arith.constant 0 : index
    %swap3A_226 = arith.constant 800 : index
    %swap3A_227 = vector.load %arg8[%swap3A_225, %swap3A_226] : memref<64x3504xf32, #tpu.memory_space<vmem>>, vector<64x100xf32>
    tpu.vector_store %arg8[%swap3A_225, %swap3A_226], %add3A_213 {strides = array<i32>} : memref<64x3504xf32, #tpu.memory_space<vmem>>, vector<64x100xf32>,
    %get3A_228 = arith.constant 0 : index
    %get3A_229 = arith.constant 0 : index
    %get3A_230 = vector.load %arg6[%get3A_228, %get3A_229] : memref<100x384xf32, #tpu.memory_space<vmem>>, vector<100x384xf32>
    %convert_element_type3A_231 = arith.truncf %mul3A_221 : vector<64x100xf32> to vector<64x100xbf16>
    %convert_element_type3A_232 = arith.truncf %get3A_230 : vector<100x384xf32> to vector<100x384xbf16>
    %dot_general3A_233 = arith.constant dense<0.000000e+00> : vector<64x384xf32>
    %dot_general3A_234 = tpu.matmul %convert_element_type3A_231, %convert_element_type3A_232, %dot_general3A_233 {dimension_numbers = #tpu.dot_dimension_numbers<[1], [0], [0], [1], [0, 0, 1, 1], [], []>, transpose_lhs_hint = false} : vector<64x100xbf16>, vector<100x384xbf16>, vector<64x384xf32> -> vector<64x384xf32>
    %get3A_235 = arith.constant 0 : index
    %get3A_236 = arith.constant 0 : index
    %get3A_237 = vector.load %arg7[%get3A_235, %get3A_236] : memref<1x384xf32, #tpu.memory_space<vmem>>, vector<1x384xf32>
    %add3A_238 = vector.broadcast %get3A_237 : vector<1x384xf32> to vector<64x384xf32>
    %add3A_239 = arith.addf %dot_general3A_234, %add3A_238 : vector<64x384xf32>
    %swap3A_240 = arith.constant 0 : index
    %swap3A_241 = arith.constant 1968 : index
    %swap3A_242 = vector.load %arg8[%swap3A_240, %swap3A_241] : memref<64x3504xf32, #tpu.memory_space<vmem>>, vector<64x384xf32>
    tpu.vector_store %arg8[%swap3A_240, %swap3A_241], %add3A_239 {strides = array<i32>} : memref<64x3504xf32, #tpu.memory_space<vmem>>, vector<64x384xf32>,
    %get3A_243 = arith.constant 0 : index
    %get3A_244 = arith.constant 300 : index
    %get3A_245 = vector.load %arg0[%get3A_243, %get3A_244] : memref<64x600xf32, #tpu.memory_space<vmem>>, vector<64x100xf32>
    %get3A_246 = arith.constant 0 : index
    %get3A_247 = arith.constant 300 : index
    %get3A_248 = vector.load %arg1[%get3A_246, %get3A_247] : memref<64x600xf32, #tpu.memory_space<vmem>>, vector<64x100xf32>
    %get3A_249 = arith.constant 0 : index
    %get3A_250 = arith.constant 1200 : index
    %get3A_251 = vector.load %arg2[%get3A_249, %get3A_250] : memref<64x2400xf32, #tpu.memory_space<vmem>>, vector<64x400xf32>
    %get3A_252 = arith.constant 3 : index
    %get3A_253 = arith.constant 0 : index
    %get3A_254 = arith.constant 0 : index
    %get3A_255 = vector.load %arg4[%get3A_252, %get3A_253, %get3A_254] : memref<6x400x100xf32, #tpu.memory_space<vmem>>, vector<1x400x100xf32>
    %get3A_256 = vector.shape_cast %get3A_255 : vector<1x400x100xf32> to vector<400x100xf32>
    %convert_element_type3A_257 = arith.truncf %get3A_245 : vector<64x100xf32> to vector<64x100xbf16>
    %convert_element_type3A_258 = arith.truncf %get3A_256 : vector<400x100xf32> to vector<400x100xbf16>
    %dot_general3A_259 = arith.constant dense<0.000000e+00> : vector<64x400xf32>
    %dot_general3A_260 = tpu.matmul %convert_element_type3A_257, %convert_element_type3A_258, %dot_general3A_259 {dimension_numbers = #tpu.dot_dimension_numbers<[1], [1], [0], [0], [0, 0, 1, 0], [], []>, transpose_lhs_hint = false} : vector<64x100xbf16>, vector<400x100xbf16>, vector<64x400xf32> -> vector<64x400xf32>
    %get3A_261 = arith.constant 3 : index
    %get3A_262 = arith.constant 0 : index
    %get3A_263 = arith.constant 0 : index
    %get3A_264 = vector.load %arg3[%get3A_261, %get3A_262, %get3A_263] : memref<6x400x400xf32, #tpu.memory_space<vmem>>, vector<1x400x400xf32>
    %get3A_265 = vector.shape_cast %get3A_264 : vector<1x400x400xf32> to vector<400x400xf32>
    %convert_element_type3A_266 = arith.truncf %get3A_251 : vector<64x400xf32> to vector<64x400xbf16>
    %convert_element_type3A_267 = arith.truncf %get3A_265 : vector<400x400xf32> to vector<400x400xbf16>
    %dot_general3A_268 = arith.constant dense<0.000000e+00> : vector<64x400xf32>
    %dot_general3A_269 = tpu.matmul %convert_element_type3A_266, %convert_element_type3A_267, %dot_general3A_268 {dimension_numbers = #tpu.dot_dimension_numbers<[1], [1], [0], [0], [0, 0, 1, 0], [], []>, transpose_lhs_hint = false} : vector<64x400xbf16>, vector<400x400xbf16>, vector<64x400xf32> -> vector<64x400xf32>
    %add3A_270 = arith.addf %dot_general3A_260, %dot_general3A_269 : vector<64x400xf32>
    %get3A_271 = arith.constant 3 : index
    %get3A_272 = arith.constant 0 : index
    %get3A_273 = arith.constant 0 : index
    %get3A_274 = vector.load %arg5[%get3A_271, %get3A_272, %get3A_273] : memref<6x1x400xf32, #tpu.memory_space<vmem>>, vector<1x1x400xf32>
    %get3A_275 = vector.shape_cast %get3A_274 : vector<1x1x400xf32> to vector<1x400xf32>
    %add3A_276 = vector.broadcast %get3A_275 : vector<1x400xf32> to vector<64x400xf32>
    %add3A_277 = arith.addf %add3A_270, %add3A_276 : vector<64x400xf32>
    %slice3A_278 = vector.extract_strided_slice %add3A_277 {offsets = [0, 0], sizes = [64, 100], strides = [1, 1]} : vector<64x400xf32> to vector<64x100xf32>
    %slice3A_279 = vector.extract_strided_slice %add3A_277 {offsets = [0, 100], sizes = [64, 100], strides = [1, 1]} : vector<64x400xf32> to vector<64x100xf32>
    %slice3A_280 = vector.extract_strided_slice %add3A_277 {offsets = [0, 200], sizes = [64, 100], strides = [1, 1]} : vector<64x400xf32> to vector<64x100xf32>
    %slice3A_281 = vector.extract_strided_slice %add3A_277 {offsets = [0, 300], sizes = [64, 100], strides = [1, 1]} : vector<64x400xf32> to vector<64x100xf32>
    %logistic3A_282 = arith.negf %slice3A_279 : vector<64x100xf32>
    %logistic3A_283 = math.exp %logistic3A_282 : vector<64x100xf32>
    %logistic3A_284 = arith.constant 1.000000e+00 : f32
    %logistic3A_285 = vector.broadcast %logistic3A_284 : f32 to vector<64x100xf32>
    %logistic3A_286 = arith.addf %logistic3A_285, %logistic3A_283 : vector<64x100xf32>
    %logistic3A_287 = arith.divf %logistic3A_285, %logistic3A_286 : vector<64x100xf32>
    %mul3A_288 = arith.mulf %logistic3A_287, %get3A_248 : vector<64x100xf32>
    %logistic3A_289 = arith.negf %slice3A_278 : vector<64x100xf32>
    %logistic3A_290 = math.exp %logistic3A_289 : vector<64x100xf32>
    %logistic3A_291 = arith.constant 1.000000e+00 : f32
    %logistic3A_292 = vector.broadcast %logistic3A_291 : f32 to vector<64x100xf32>
    %logistic3A_293 = arith.addf %logistic3A_292, %logistic3A_290 : vector<64x100xf32>
    %logistic3A_294 = arith.divf %logistic3A_292, %logistic3A_293 : vector<64x100xf32>
    %tanh3A_295 = math.tanh %slice3A_280 : vector<64x100xf32>
    %mul3A_296 = arith.mulf %logistic3A_294, %tanh3A_295 : vector<64x100xf32>
    %add3A_297 = arith.addf %mul3A_288, %mul3A_296 : vector<64x100xf32>
    %logistic3A_298 = arith.negf %slice3A_281 : vector<64x100xf32>
    %logistic3A_299 = math.exp %logistic3A_298 : vector<64x100xf32>
    %logistic3A_300 = arith.constant 1.000000e+00 : f32
    %logistic3A_301 = vector.broadcast %logistic3A_300 : f32 to vector<64x100xf32>
    %logistic3A_302 = arith.addf %logistic3A_301, %logistic3A_299 : vector<64x100xf32>
    %logistic3A_303 = arith.divf %logistic3A_301, %logistic3A_302 : vector<64x100xf32>
    %tanh3A_304 = math.tanh %add3A_297 : vector<64x100xf32>
    %mul3A_305 = arith.mulf %logistic3A_303, %tanh3A_304 : vector<64x100xf32>
    %swap3A_306 = arith.constant 0 : index
    %swap3A_307 = arith.constant 300 : index
    %swap3A_308 = vector.load %arg8[%swap3A_306, %swap3A_307] : memref<64x3504xf32, #tpu.memory_space<vmem>>, vector<64x100xf32>
    tpu.vector_store %arg8[%swap3A_306, %swap3A_307], %mul3A_305 {strides = array<i32>} : memref<64x3504xf32, #tpu.memory_space<vmem>>, vector<64x100xf32>,
    %swap3A_309 = arith.constant 0 : index
    %swap3A_310 = arith.constant 900 : index
    %swap3A_311 = vector.load %arg8[%swap3A_309, %swap3A_310] : memref<64x3504xf32, #tpu.memory_space<vmem>>, vector<64x100xf32>
    tpu.vector_store %arg8[%swap3A_309, %swap3A_310], %add3A_297 {strides = array<i32>} : memref<64x3504xf32, #tpu.memory_space<vmem>>, vector<64x100xf32>,
    %get3A_312 = arith.constant 0 : index
    %get3A_313 = arith.constant 0 : index
    %get3A_314 = vector.load %arg6[%get3A_312, %get3A_313] : memref<100x384xf32, #tpu.memory_space<vmem>>, vector<100x384xf32>
    %convert_element_type3A_315 = arith.truncf %mul3A_305 : vector<64x100xf32> to vector<64x100xbf16>
    %convert_element_type3A_316 = arith.truncf %get3A_314 : vector<100x384xf32> to vector<100x384xbf16>
    %dot_general3A_317 = arith.constant dense<0.000000e+00> : vector<64x384xf32>
    %dot_general3A_318 = tpu.matmul %convert_element_type3A_315, %convert_element_type3A_316, %dot_general3A_317 {dimension_numbers = #tpu.dot_dimension_numbers<[1], [0], [0], [1], [0, 0, 1, 1], [], []>, transpose_lhs_hint = false} : vector<64x100xbf16>, vector<100x384xbf16>, vector<64x384xf32> -> vector<64x384xf32>
    %get3A_319 = arith.constant 0 : index
    %get3A_320 = arith.constant 0 : index
    %get3A_321 = vector.load %arg7[%get3A_319, %get3A_320] : memref<1x384xf32, #tpu.memory_space<vmem>>, vector<1x384xf32>
    %add3A_322 = vector.broadcast %get3A_321 : vector<1x384xf32> to vector<64x384xf32>
    %add3A_323 = arith.addf %dot_general3A_318, %add3A_322 : vector<64x384xf32>
    %swap3A_324 = arith.constant 0 : index
    %swap3A_325 = arith.constant 2352 : index
    %swap3A_326 = vector.load %arg8[%swap3A_324, %swap3A_325] : memref<64x3504xf32, #tpu.memory_space<vmem>>, vector<64x384xf32>
    tpu.vector_store %arg8[%swap3A_324, %swap3A_325], %add3A_323 {strides = array<i32>} : memref<64x3504xf32, #tpu.memory_space<vmem>>, vector<64x384xf32>,
    %get3A_327 = arith.constant 0 : index
    %get3A_328 = arith.constant 400 : index
    %get3A_329 = vector.load %arg0[%get3A_327, %get3A_328] : memref<64x600xf32, #tpu.memory_space<vmem>>, vector<64x100xf32>
    %get3A_330 = arith.constant 0 : index
    %get3A_331 = arith.constant 400 : index
    %get3A_332 = vector.load %arg1[%get3A_330, %get3A_331] : memref<64x600xf32, #tpu.memory_space<vmem>>, vector<64x100xf32>
    %get3A_333 = arith.constant 0 : index
    %get3A_334 = arith.constant 1600 : index
    %get3A_335 = vector.load %arg2[%get3A_333, %get3A_334] : memref<64x2400xf32, #tpu.memory_space<vmem>>, vector<64x400xf32>
    %get3A_336 = arith.constant 4 : index
    %get3A_337 = arith.constant 0 : index
    %get3A_338 = arith.constant 0 : index
    %get3A_339 = vector.load %arg4[%get3A_336, %get3A_337, %get3A_338] : memref<6x400x100xf32, #tpu.memory_space<vmem>>, vector<1x400x100xf32>
    %get3A_340 = vector.shape_cast %get3A_339 : vector<1x400x100xf32> to vector<400x100xf32>
    %convert_element_type3A_341 = arith.truncf %get3A_329 : vector<64x100xf32> to vector<64x100xbf16>
    %convert_element_type3A_342 = arith.truncf %get3A_340 : vector<400x100xf32> to vector<400x100xbf16>
    %dot_general3A_343 = arith.constant dense<0.000000e+00> : vector<64x400xf32>
    %dot_general3A_344 = tpu.matmul %convert_element_type3A_341, %convert_element_type3A_342, %dot_general3A_343 {dimension_numbers = #tpu.dot_dimension_numbers<[1], [1], [0], [0], [0, 0, 1, 0], [], []>, transpose_lhs_hint = false} : vector<64x100xbf16>, vector<400x100xbf16>, vector<64x400xf32> -> vector<64x400xf32>
    %get3A_345 = arith.constant 4 : index
    %get3A_346 = arith.constant 0 : index
    %get3A_347 = arith.constant 0 : index
    %get3A_348 = vector.load %arg3[%get3A_345, %get3A_346, %get3A_347] : memref<6x400x400xf32, #tpu.memory_space<vmem>>, vector<1x400x400xf32>
    %get3A_349 = vector.shape_cast %get3A_348 : vector<1x400x400xf32> to vector<400x400xf32>
    %convert_element_type3A_350 = arith.truncf %get3A_335 : vector<64x400xf32> to vector<64x400xbf16>
    %convert_element_type3A_351 = arith.truncf %get3A_349 : vector<400x400xf32> to vector<400x400xbf16>
    %dot_general3A_352 = arith.constant dense<0.000000e+00> : vector<64x400xf32>
    %dot_general3A_353 = tpu.matmul %convert_element_type3A_350, %convert_element_type3A_351, %dot_general3A_352 {dimension_numbers = #tpu.dot_dimension_numbers<[1], [1], [0], [0], [0, 0, 1, 0], [], []>, transpose_lhs_hint = false} : vector<64x400xbf16>, vector<400x400xbf16>, vector<64x400xf32> -> vector<64x400xf32>
    %add3A_354 = arith.addf %dot_general3A_344, %dot_general3A_353 : vector<64x400xf32>
    %get3A_355 = arith.constant 4 : index
    %get3A_356 = arith.constant 0 : index
    %get3A_357 = arith.constant 0 : index
    %get3A_358 = vector.load %arg5[%get3A_355, %get3A_356, %get3A_357] : memref<6x1x400xf32, #tpu.memory_space<vmem>>, vector<1x1x400xf32>
    %get3A_359 = vector.shape_cast %get3A_358 : vector<1x1x400xf32> to vector<1x400xf32>
    %add3A_360 = vector.broadcast %get3A_359 : vector<1x400xf32> to vector<64x400xf32>
    %add3A_361 = arith.addf %add3A_354, %add3A_360 : vector<64x400xf32>
    %slice3A_362 = vector.extract_strided_slice %add3A_361 {offsets = [0, 0], sizes = [64, 100], strides = [1, 1]} : vector<64x400xf32> to vector<64x100xf32>
    %slice3A_363 = vector.extract_strided_slice %add3A_361 {offsets = [0, 100], sizes = [64, 100], strides = [1, 1]} : vector<64x400xf32> to vector<64x100xf32>
    %slice3A_364 = vector.extract_strided_slice %add3A_361 {offsets = [0, 200], sizes = [64, 100], strides = [1, 1]} : vector<64x400xf32> to vector<64x100xf32>
    %slice3A_365 = vector.extract_strided_slice %add3A_361 {offsets = [0, 300], sizes = [64, 100], strides = [1, 1]} : vector<64x400xf32> to vector<64x100xf32>
    %logistic3A_366 = arith.negf %slice3A_363 : vector<64x100xf32>
    %logistic3A_367 = math.exp %logistic3A_366 : vector<64x100xf32>
    %logistic3A_368 = arith.constant 1.000000e+00 : f32
    %logistic3A_369 = vector.broadcast %logistic3A_368 : f32 to vector<64x100xf32>
    %logistic3A_370 = arith.addf %logistic3A_369, %logistic3A_367 : vector<64x100xf32>
    %logistic3A_371 = arith.divf %logistic3A_369, %logistic3A_370 : vector<64x100xf32>
    %mul3A_372 = arith.mulf %logistic3A_371, %get3A_332 : vector<64x100xf32>
    %logistic3A_373 = arith.negf %slice3A_362 : vector<64x100xf32>
    %logistic3A_374 = math.exp %logistic3A_373 : vector<64x100xf32>
    %logistic3A_375 = arith.constant 1.000000e+00 : f32
    %logistic3A_376 = vector.broadcast %logistic3A_375 : f32 to vector<64x100xf32>
    %logistic3A_377 = arith.addf %logistic3A_376, %logistic3A_374 : vector<64x100xf32>
    %logistic3A_378 = arith.divf %logistic3A_376, %logistic3A_377 : vector<64x100xf32>
    %tanh3A_379 = math.tanh %slice3A_364 : vector<64x100xf32>
    %mul3A_380 = arith.mulf %logistic3A_378, %tanh3A_379 : vector<64x100xf32>
    %add3A_381 = arith.addf %mul3A_372, %mul3A_380 : vector<64x100xf32>
    %logistic3A_382 = arith.negf %slice3A_365 : vector<64x100xf32>
    %logistic3A_383 = math.exp %logistic3A_382 : vector<64x100xf32>
    %logistic3A_384 = arith.constant 1.000000e+00 : f32
    %logistic3A_385 = vector.broadcast %logistic3A_384 : f32 to vector<64x100xf32>
    %logistic3A_386 = arith.addf %logistic3A_385, %logistic3A_383 : vector<64x100xf32>
    %logistic3A_387 = arith.divf %logistic3A_385, %logistic3A_386 : vector<64x100xf32>
    %tanh3A_388 = math.tanh %add3A_381 : vector<64x100xf32>
    %mul3A_389 = arith.mulf %logistic3A_387, %tanh3A_388 : vector<64x100xf32>
    %swap3A_390 = arith.constant 0 : index
    %swap3A_391 = arith.constant 400 : index
    %swap3A_392 = vector.load %arg8[%swap3A_390, %swap3A_391] : memref<64x3504xf32, #tpu.memory_space<vmem>>, vector<64x100xf32>
    tpu.vector_store %arg8[%swap3A_390, %swap3A_391], %mul3A_389 {strides = array<i32>} : memref<64x3504xf32, #tpu.memory_space<vmem>>, vector<64x100xf32>,
    %swap3A_393 = arith.constant 0 : index
    %swap3A_394 = arith.constant 1000 : index
    %swap3A_395 = vector.load %arg8[%swap3A_393, %swap3A_394] : memref<64x3504xf32, #tpu.memory_space<vmem>>, vector<64x100xf32>
    tpu.vector_store %arg8[%swap3A_393, %swap3A_394], %add3A_381 {strides = array<i32>} : memref<64x3504xf32, #tpu.memory_space<vmem>>, vector<64x100xf32>,
    %get3A_396 = arith.constant 0 : index
    %get3A_397 = arith.constant 0 : index
    %get3A_398 = vector.load %arg6[%get3A_396, %get3A_397] : memref<100x384xf32, #tpu.memory_space<vmem>>, vector<100x384xf32>
    %convert_element_type3A_399 = arith.truncf %mul3A_389 : vector<64x100xf32> to vector<64x100xbf16>
    %convert_element_type3A_400 = arith.truncf %get3A_398 : vector<100x384xf32> to vector<100x384xbf16>
    %dot_general3A_401 = arith.constant dense<0.000000e+00> : vector<64x384xf32>
    %dot_general3A_402 = tpu.matmul %convert_element_type3A_399, %convert_element_type3A_400, %dot_general3A_401 {dimension_numbers = #tpu.dot_dimension_numbers<[1], [0], [0], [1], [0, 0, 1, 1], [], []>, transpose_lhs_hint = false} : vector<64x100xbf16>, vector<100x384xbf16>, vector<64x384xf32> -> vector<64x384xf32>
    %get3A_403 = arith.constant 0 : index
    %get3A_404 = arith.constant 0 : index
    %get3A_405 = vector.load %arg7[%get3A_403, %get3A_404] : memref<1x384xf32, #tpu.memory_space<vmem>>, vector<1x384xf32>
    %add3A_406 = vector.broadcast %get3A_405 : vector<1x384xf32> to vector<64x384xf32>
    %add3A_407 = arith.addf %dot_general3A_402, %add3A_406 : vector<64x384xf32>
    %swap3A_408 = arith.constant 0 : index
    %swap3A_409 = arith.constant 2736 : index
    %swap3A_410 = vector.load %arg8[%swap3A_408, %swap3A_409] : memref<64x3504xf32, #tpu.memory_space<vmem>>, vector<64x384xf32>
    tpu.vector_store %arg8[%swap3A_408, %swap3A_409], %add3A_407 {strides = array<i32>} : memref<64x3504xf32, #tpu.memory_space<vmem>>, vector<64x384xf32>,
    %get3A_411 = arith.constant 0 : index
    %get3A_412 = arith.constant 500 : index
    %get3A_413 = vector.load %arg0[%get3A_411, %get3A_412] : memref<64x600xf32, #tpu.memory_space<vmem>>, vector<64x100xf32>
    %get3A_414 = arith.constant 0 : index
    %get3A_415 = arith.constant 500 : index
    %get3A_416 = vector.load %arg1[%get3A_414, %get3A_415] : memref<64x600xf32, #tpu.memory_space<vmem>>, vector<64x100xf32>
    %get3A_417 = arith.constant 0 : index
    %get3A_418 = arith.constant 2000 : index
    %get3A_419 = vector.load %arg2[%get3A_417, %get3A_418] : memref<64x2400xf32, #tpu.memory_space<vmem>>, vector<64x400xf32>
    %get3A_420 = arith.constant 5 : index
    %get3A_421 = arith.constant 0 : index
    %get3A_422 = arith.constant 0 : index
    %get3A_423 = vector.load %arg4[%get3A_420, %get3A_421, %get3A_422] : memref<6x400x100xf32, #tpu.memory_space<vmem>>, vector<1x400x100xf32>
    %get3A_424 = vector.shape_cast %get3A_423 : vector<1x400x100xf32> to vector<400x100xf32>
    %convert_element_type3A_425 = arith.truncf %get3A_413 : vector<64x100xf32> to vector<64x100xbf16>
    %convert_element_type3A_426 = arith.truncf %get3A_424 : vector<400x100xf32> to vector<400x100xbf16>
    %dot_general3A_427 = arith.constant dense<0.000000e+00> : vector<64x400xf32>
    %dot_general3A_428 = tpu.matmul %convert_element_type3A_425, %convert_element_type3A_426, %dot_general3A_427 {dimension_numbers = #tpu.dot_dimension_numbers<[1], [1], [0], [0], [0, 0, 1, 0], [], []>, transpose_lhs_hint = false} : vector<64x100xbf16>, vector<400x100xbf16>, vector<64x400xf32> -> vector<64x400xf32>
    %get3A_429 = arith.constant 5 : index
    %get3A_430 = arith.constant 0 : index
    %get3A_431 = arith.constant 0 : index
    %get3A_432 = vector.load %arg3[%get3A_429, %get3A_430, %get3A_431] : memref<6x400x400xf32, #tpu.memory_space<vmem>>, vector<1x400x400xf32>
    %get3A_433 = vector.shape_cast %get3A_432 : vector<1x400x400xf32> to vector<400x400xf32>
    %convert_element_type3A_434 = arith.truncf %get3A_419 : vector<64x400xf32> to vector<64x400xbf16>
    %convert_element_type3A_435 = arith.truncf %get3A_433 : vector<400x400xf32> to vector<400x400xbf16>
    %dot_general3A_436 = arith.constant dense<0.000000e+00> : vector<64x400xf32>
    %dot_general3A_437 = tpu.matmul %convert_element_type3A_434, %convert_element_type3A_435, %dot_general3A_436 {dimension_numbers = #tpu.dot_dimension_numbers<[1], [1], [0], [0], [0, 0, 1, 0], [], []>, transpose_lhs_hint = false} : vector<64x400xbf16>, vector<400x400xbf16>, vector<64x400xf32> -> vector<64x400xf32>
    %add3A_438 = arith.addf %dot_general3A_428, %dot_general3A_437 : vector<64x400xf32>
    %get3A_439 = arith.constant 5 : index
    %get3A_440 = arith.constant 0 : index
    %get3A_441 = arith.constant 0 : index
    %get3A_442 = vector.load %arg5[%get3A_439, %get3A_440, %get3A_441] : memref<6x1x400xf32, #tpu.memory_space<vmem>>, vector<1x1x400xf32>
    %get3A_443 = vector.shape_cast %get3A_442 : vector<1x1x400xf32> to vector<1x400xf32>
    %add3A_444 = vector.broadcast %get3A_443 : vector<1x400xf32> to vector<64x400xf32>
    %add3A_445 = arith.addf %add3A_438, %add3A_444 : vector<64x400xf32>
    %slice3A_446 = vector.extract_strided_slice %add3A_445 {offsets = [0, 0], sizes = [64, 100], strides = [1, 1]} : vector<64x400xf32> to vector<64x100xf32>
    %slice3A_447 = vector.extract_strided_slice %add3A_445 {offsets = [0, 100], sizes = [64, 100], strides = [1, 1]} : vector<64x400xf32> to vector<64x100xf32>
    %slice3A_448 = vector.extract_strided_slice %add3A_445 {offsets = [0, 200], sizes = [64, 100], strides = [1, 1]} : vector<64x400xf32> to vector<64x100xf32>
    %slice3A_449 = vector.extract_strided_slice %add3A_445 {offsets = [0, 300], sizes = [64, 100], strides = [1, 1]} : vector<64x400xf32> to vector<64x100xf32>
    %logistic3A_450 = arith.negf %slice3A_447 : vector<64x100xf32>
    %logistic3A_451 = math.exp %logistic3A_450 : vector<64x100xf32>
    %logistic3A_452 = arith.constant 1.000000e+00 : f32
    %logistic3A_453 = vector.broadcast %logistic3A_452 : f32 to vector<64x100xf32>
    %logistic3A_454 = arith.addf %logistic3A_453, %logistic3A_451 : vector<64x100xf32>
    %logistic3A_455 = arith.divf %logistic3A_453, %logistic3A_454 : vector<64x100xf32>
    %mul3A_456 = arith.mulf %logistic3A_455, %get3A_416 : vector<64x100xf32>
    %logistic3A_457 = arith.negf %slice3A_446 : vector<64x100xf32>
    %logistic3A_458 = math.exp %logistic3A_457 : vector<64x100xf32>
    %logistic3A_459 = arith.constant 1.000000e+00 : f32
    %logistic3A_460 = vector.broadcast %logistic3A_459 : f32 to vector<64x100xf32>
    %logistic3A_461 = arith.addf %logistic3A_460, %logistic3A_458 : vector<64x100xf32>
    %logistic3A_462 = arith.divf %logistic3A_460, %logistic3A_461 : vector<64x100xf32>
    %tanh3A_463 = math.tanh %slice3A_448 : vector<64x100xf32>
    %mul3A_464 = arith.mulf %logistic3A_462, %tanh3A_463 : vector<64x100xf32>
    %add3A_465 = arith.addf %mul3A_456, %mul3A_464 : vector<64x100xf32>
    %logistic3A_466 = arith.negf %slice3A_449 : vector<64x100xf32>
    %logistic3A_467 = math.exp %logistic3A_466 : vector<64x100xf32>
    %logistic3A_468 = arith.constant 1.000000e+00 : f32
    %logistic3A_469 = vector.broadcast %logistic3A_468 : f32 to vector<64x100xf32>
    %logistic3A_470 = arith.addf %logistic3A_469, %logistic3A_467 : vector<64x100xf32>
    %logistic3A_471 = arith.divf %logistic3A_469, %logistic3A_470 : vector<64x100xf32>
    %tanh3A_472 = math.tanh %add3A_465 : vector<64x100xf32>
    %mul3A_473 = arith.mulf %logistic3A_471, %tanh3A_472 : vector<64x100xf32>
    %swap3A_474 = arith.constant 0 : index
    %swap3A_475 = arith.constant 500 : index
    %swap3A_476 = vector.load %arg8[%swap3A_474, %swap3A_475] : memref<64x3504xf32, #tpu.memory_space<vmem>>, vector<64x100xf32>
    tpu.vector_store %arg8[%swap3A_474, %swap3A_475], %mul3A_473 {strides = array<i32>} : memref<64x3504xf32, #tpu.memory_space<vmem>>, vector<64x100xf32>,
    %swap3A_477 = arith.constant 0 : index
    %swap3A_478 = arith.constant 1100 : index
    %swap3A_479 = vector.load %arg8[%swap3A_477, %swap3A_478] : memref<64x3504xf32, #tpu.memory_space<vmem>>, vector<64x100xf32>
    tpu.vector_store %arg8[%swap3A_477, %swap3A_478], %add3A_465 {strides = array<i32>} : memref<64x3504xf32, #tpu.memory_space<vmem>>, vector<64x100xf32>,
    %get3A_480 = arith.constant 0 : index
    %get3A_481 = arith.constant 0 : index
    %get3A_482 = vector.load %arg6[%get3A_480, %get3A_481] : memref<100x384xf32, #tpu.memory_space<vmem>>, vector<100x384xf32>
    %convert_element_type3A_483 = arith.truncf %mul3A_473 : vector<64x100xf32> to vector<64x100xbf16>
    %convert_element_type3A_484 = arith.truncf %get3A_482 : vector<100x384xf32> to vector<100x384xbf16>
    %dot_general3A_485 = arith.constant dense<0.000000e+00> : vector<64x384xf32>
    %dot_general3A_486 = tpu.matmul %convert_element_type3A_483, %convert_element_type3A_484, %dot_general3A_485 {dimension_numbers = #tpu.dot_dimension_numbers<[1], [0], [0], [1], [0, 0, 1, 1], [], []>, transpose_lhs_hint = false} : vector<64x100xbf16>, vector<100x384xbf16>, vector<64x384xf32> -> vector<64x384xf32>
    %get3A_487 = arith.constant 0 : index
    %get3A_488 = arith.constant 0 : index
    %get3A_489 = vector.load %arg7[%get3A_487, %get3A_488] : memref<1x384xf32, #tpu.memory_space<vmem>>, vector<1x384xf32>
    %add3A_490 = vector.broadcast %get3A_489 : vector<1x384xf32> to vector<64x384xf32>
    %add3A_491 = arith.addf %dot_general3A_486, %add3A_490 : vector<64x384xf32>
    %swap3A_492 = arith.constant 0 : index
    %swap3A_493 = arith.constant 3120 : index
    %swap3A_494 = vector.load %arg8[%swap3A_492, %swap3A_493] : memref<64x3504xf32, #tpu.memory_space<vmem>>, vector<64x384xf32>
    tpu.vector_store %arg8[%swap3A_492, %swap3A_493], %add3A_491 {strides = array<i32>} : memref<64x3504xf32, #tpu.memory_space<vmem>>, vector<64x384xf32>,
    return
  }
}

module attributes {stable_mosaic.version = 14 : i64} {
  func.func @_decode_kernel(%arg0: i32, %arg1: i32, %arg2: memref<448x600xf32, #tpu.memory_space<vmem>>, %arg3: memref<600x2048xf32, #tpu.memory_space<vmem>>, %arg4: memref<1x2048xf32, #tpu.memory_space<vmem>>, %arg5: memref<448x2048xf32, #tpu.memory_space<vmem>>) attributes {dimension_semantics = [#tpu.dimension_semantics<arbitrary>, #tpu.dimension_semantics<arbitrary>], iteration_bounds = array<i64: 5, 10>, scalar_prefetch = 0 : i64, scratch_operands = 0 : i64, tpu.core_type = #tpu.core_type<tc>, window_params = [{transform_indices = @transform_0, window_bounds = array<i64: 448, 600>}, {transform_indices = @transform_1, window_bounds = array<i64: 600, 2048>}, {transform_indices = @transform_2, window_bounds = array<i64: 1, 2048>}, {transform_indices = @transform_3, window_bounds = array<i64: 448, 2048>}]} {
    %get3A = arith.constant 0 : index
    %get3A_0 = arith.constant 0 : index
    %get3A_1 = vector.load %arg2[%get3A, %get3A_0] : memref<448x600xf32, #tpu.memory_space<vmem>>, vector<448x600xf32>
    %convert_element_type3A = arith.truncf %get3A_1 : vector<448x600xf32> to vector<448x600xbf16>
    %get3A_2 = arith.constant 0 : index
    %get3A_3 = arith.constant 0 : index
    %get3A_4 = vector.load %arg3[%get3A_2, %get3A_3] : memref<600x2048xf32, #tpu.memory_space<vmem>>, vector<600x2048xf32>
    %convert_element_type3A_5 = arith.truncf %get3A_4 : vector<600x2048xf32> to vector<600x2048xbf16>
    %dot_general3A = arith.constant dense<0.000000e+00> : vector<448x2048xf32>
    %dot_general3A_6 = tpu.matmul %convert_element_type3A, %convert_element_type3A_5, %dot_general3A {dimension_numbers = #tpu.dot_dimension_numbers<[1], [0], [0], [1], [0, 0, 1, 1], [], []>, transpose_lhs_hint = false} : vector<448x600xbf16>, vector<600x2048xbf16>, vector<448x2048xf32> -> vector<448x2048xf32>
    %get3A_7 = arith.constant 0 : index
    %get3A_8 = arith.constant 0 : index
    %get3A_9 = vector.load %arg4[%get3A_7, %get3A_8] : memref<1x2048xf32, #tpu.memory_space<vmem>>, vector<1x2048xf32>
    %add3A = vector.broadcast %get3A_9 : vector<1x2048xf32> to vector<448x2048xf32>
    %add3A_10 = arith.addf %dot_general3A_6, %add3A : vector<448x2048xf32>
    %swap3A = arith.constant 0 : index
    %swap3A_11 = arith.constant 0 : index
    %swap3A_12 = vector.load %arg5[%swap3A, %swap3A_11] : memref<448x2048xf32, #tpu.memory_space<vmem>>, vector<448x2048xf32>
    tpu.vector_store %arg5[%swap3A, %swap3A_11], %add3A_10 {strides = array<i32>} : memref<448x2048xf32, #tpu.memory_space<vmem>>, vector<448x2048xf32>,
    return
  }
  func.func @transform_0(%arg0: i32, %arg1: i32) -> (i32, i32) {
    %c0_i32 = arith.constant 0 : i32
    %c0_i32_0 = arith.constant 0 : i32
    return %arg1, %c0_i32 : i32, i32
  }
  func.func @transform_1(%arg0: i32, %arg1: i32) -> (i32, i32) {
    %c0_i32 = arith.constant 0 : i32
    %c0_i32_0 = arith.constant 0 : i32
    return %c0_i32, %arg0 : i32, i32
  }
  func.func @transform_2(%arg0: i32, %arg1: i32) -> (i32, i32) {
    %c0_i32 = arith.constant 0 : i32
    %c0_i32_0 = arith.constant 0 : i32
    return %c0_i32, %arg0 : i32, i32
  }
  func.func @transform_3(%arg0: i32, %arg1: i32) -> (i32, i32) {
    %c0_i32 = arith.constant 0 : i32
    return %arg1, %arg0 : i32, i32
  }
}

</mosaic_0001>

<sc_bundles>
// kernel: kernel.4.cloned.1.call-start
scs
__scs_entry_jumppad:
0x0: {  	(pc) =	sbr.rel $0x88, $3  }
0x1: {  	(tag) =	ssettag $0x0;
	lr =	simm.s32 $0x1  }
0x2: {  	[smem:$0x3F88] =	sst lr;
	_ =	strace $0xD0000000  }
0x3: {  	_ = 	snop  }
0x4: {  	_ = 	snop  }
0x5: {  	_ = 	snop  }
0x6: {  	_ = 	snop  }
0x7: {  	_ = 	snop  }
__scs_overlays_trampoline_lowered:
0x8: {  	[smem:$0x3F97] =	sst s0  }
0x9: {  	[smem:$0x3F98] =	sst s1  }
0xa: {  	[smem:$0x3F99] =	sst s2  }
0xb: {  	[smem:$0x3F9A] =	sst s3  }
0xc: {  	[smem:$0x3F9B] =	sst s4  }
0xd: {  	[smem:$0x3F9C] =	sst s5  }
0xe: {  	[smem:$0x3F9D] =	sst s6  }
0xf: {  	[smem:$0x3F9E] =	sst s7  }
0x10: {  	[smem:$0x3F9F] =	sst s8  }
0x11: {  	[smem:$0x3FA0] =	sst s9;
	s0 =	simm.s32 @!p0 $0x0  }
0x12: {  	s1 =	sld [smem:$0x3F86];
	s0 =	simm.s32 @p0 $0x1  }
0x13: {  	[smem:$0x3FA1] =	sst s0;
	s0 =	simm.s32 @!p1 $0x0  }
0x14: {  	s2 =	sld [smem:$0x3F85];
	s0 =	simm.s32 @p1 $0x1  }
0x15: {  	[smem:$0x3FA2] =	sst s0;
	s0 =	simm.s32 @!p2 $0x0  }
0x16: {  	s3 =	sld [smem:$0x3FDB];
	s0 =	simm.s32 @p2 $0x1  }
0x17: {  	s4 =	simm.s32 $0x1BF5;
	[smem:$0x3FA4] =	sst s0  }
0x18: {  	s0 =	sld [smem:$0x3F87];
	_ =	swait.ge [sflag:s4], $0x0  }
0x19: {  	s7 =	sld [smem:$0x3F88]  }
0x1a: {  	s8 =	sadd.s32 $0xFFFFE003, lr  }
0x1b: {  	s9 =	sadd.s32 $0xFFFFFEF7, lr;
	s5 =	simm.s32 $0xFFFFFFFF;
	p2 =	slt.u32 s8, $0xFFFFF086  }
0x1c: {  	p1 =	slt.u32 s9, $0xF7A;
	s5 =	simm.s32 @!p2 $0x0  }
0x1d: {  	s5 =	simm.s32 @p1 $0x1;
	p0 =	seq.s32 s7, s2  }
0x1e: {  	s7 =	smul.u32 @!p0 $0xF7A, s2;
	p2 =	seq.s32 @!p0 s5, $0x0  }
0x1f: {  	s9 =	smul.u32 $0xF7A, s1;
	s8 =	simm.s32 @!p0 $0x1BF5;
	p2 =	por !p2, p0  }
0x20: {  	[sflag:s8] =	ssyncset.s32 @!p0 $0xFFFFF086;
	s6 =	sadd.s32 @!p0 s3, s7;
	s7 =	simm.s32 @!p0 $0x108  }
0x21: {  	s3 =	sadd.s32 s3, s9;
	s6 =	sadd.s32 @!p0 $0x88, s6;
	s7 =	simm.s32 @p2 $0x1082  }
0x22: {  	[simem:s7], [sflag:s8] =	dma.local @!p0 [hbm:s6], $0xF7A  }
0x23: {  	s9 =	sor.u32 $0xD0000000, s2;
	s6 =	simm.s32 $0x108;
	_ =	swait.ge @!p0 [sflag:s8], $0x0  }
0x24: {  	s3 =	sadd.s32 $0x88, s3;
	s6 =	simm.s32 @!p1 $0x1082;
	[sflag:s4] =	ssyncset.s32 $0xFFFFF086  }
0x25: {  	[simem:s6], [sflag:s4] =	dma.local [hbm:s3], $0xF7A  }
0x26: {  	[smem:$0x3F88] =	sst s1;
	(tag) =	ssettag s2;
	_ =	strace s9  }
0x27: {  	s1 =	sld [smem:$0x3F98]  }
0x28: {  	s2 =	sld [smem:$0x3F99]  }
0x29: {  	s4 =	sld [smem:$0x3F9B]  }
0x2a: {  	p0 =	seq.s32 s5, $0x0;
	s5 =	sld [smem:$0x3F9C]  }
0x2b: {  	s6 =	sld [smem:$0x3F9D]  }
0x2c: {  	s7 =	sld [smem:$0x3F9E]  }
0x2d: {  	s3 =	simm.s32 $0x108;
	s8 =	sld [smem:$0x3F9F]  }
0x2e: {  	s3 =	simm.s32 @!p0 $0x1082;
	s9 =	sld [smem:$0x3FA0]  }
0x2f: {  	lr =	sadd.s32 s0, s3;
	s0 =	sld [smem:$0x3F97]  }
0x30: {  	s3 =	sld [smem:$0x3F9A]  }
0x31: {  	[smem:$0x3FA3] =	sst s10  }
0x32: {  	s10 =	sld [smem:$0x3FA1];
	_ =	sdelay $0x3  }
0x33: {  	p0 =	seq.s32 s10, $0x1;
	s10 =	sld [smem:$0x3FA3];
	_ =	sdelay $0x3  }
0x34: {  	[smem:$0x3FA3] =	sst s10  }
0x35: {  	s10 =	sld [smem:$0x3FA2];
	_ =	sdelay $0x3  }
0x36: {  	p1 =	seq.s32 s10, $0x1;
	s10 =	sld [smem:$0x3FA3];
	_ =	sdelay $0x3  }
0x37: {  	[smem:$0x3FA3] =	sst s10  }
0x38: {  	s10 =	sld [smem:$0x3FA4]  }
0x39: {  	_ = 	snop;
	(pc) =	sbr.ind lr, $3  }
0x3a: {  	_ = 	snop  }
0x3b: {  	_ = 	snop  }
0x3c: {  	p2 =	seq.s32 s10, $0x1;
	s10 =	sld [smem:$0x3FA3]  }
0x3d: {  	_ =	shalt  }
0x3e: {  	_ =	shalt  }
0x3f: {  	_ =	shalt  }
0x40: {  	_ =	shalt  }
0x41: {  	_ =	shalt  }
0x42: {  	_ =	shalt  }
0x43: {  	_ =	shalt  }
0x44: {  	_ =	shalt  }
0x45: {  	_ =	shalt  }
0x46: {  	_ =	shalt  }
0x47: {  	_ =	shalt  }
0x48: {  	_ =	shalt  }
0x49: {  	_ =	shalt  }
0x4a: {  	_ =	shalt  }
0x4b: {  	_ =	shalt  }
0x4c: {  	_ =	shalt  }
0x4d: {  	_ =	shalt  }
0x4e: {  	_ =	shalt  }
0x4f: {  	_ =	shalt  }
0x50: {  	_ =	shalt  }
0x51: {  	_ =	shalt  }
0x52: {  	_ =	shalt  }
0x53: {  	_ =	shalt  }
0x54: {  	_ =	shalt  }
0x55: {  	_ =	shalt  }
0x56: {  	_ =	shalt  }
0x57: {  	_ =	shalt  }
0x58: {  	_ =	shalt  }
0x59: {  	_ =	shalt  }
0x5a: {  	_ =	shalt  }
0x5b: {  	_ =	shalt  }
0x5c: {  	_ =	shalt  }
0x5d: {  	_ =	shalt  }
0x5e: {  	_ =	shalt  }
0x5f: {  	_ =	shalt  }
0x60: {  	_ =	shalt  }
0x61: {  	_ =	shalt  }
0x62: {  	_ =	shalt  }
0x63: {  	_ =	shalt  }
0x64: {  	_ =	shalt  }
0x65: {  	_ =	shalt  }
0x66: {  	_ =	shalt  }
0x67: {  	_ =	shalt  }
0x68: {  	_ =	shalt  }
0x69: {  	_ =	shalt  }
0x6a: {  	_ =	shalt  }
0x6b: {  	_ =	shalt  }
0x6c: {  	_ =	shalt  }
0x6d: {  	_ =	shalt  }
0x6e: {  	_ =	shalt  }
0x6f: {  	_ =	shalt  }
0x70: {  	_ =	shalt  }
0x71: {  	_ =	shalt  }
0x72: {  	_ =	shalt  }
0x73: {  	_ =	shalt  }
0x74: {  	_ =	shalt  }
0x75: {  	_ =	shalt  }
0x76: {  	_ =	shalt  }
0x77: {  	_ =	shalt  }
0x78: {  	_ =	shalt  }
0x79: {  	_ =	shalt  }
0x7a: {  	_ =	shalt  }
0x7b: {  	_ =	shalt  }
0x7c: {  	_ =	shalt  }
0x7d: {  	_ =	shalt  }
0x7e: {  	_ =	shalt  }
0x7f: {  	_ =	shalt  }
0x80: {  	_ =	shalt  }
0x81: {  	_ =	shalt  }
0x82: {  	_ =	shalt  }
0x83: {  	_ =	shalt  }
0x84: {  	_ =	shalt  }
0x85: {  	_ =	shalt  }
0x86: {  	_ =	shalt  }
0x87: {  	_ =	shalt  }
.Lfunc_end0:
.L_simem_size_0:
called_computation_lowered:
.L_overlay_start_0:
0x88: {  	s2 =	sld [smem:$0x3FD9]  }
0x89: {  	s3 =	sld [smem:$0x3FFE];
	_ =	sdelay $0x1  }
0x8a: {  	s1 =	srdreg.scid  }
0x8b: {  	s0 =	sand.u32 $0x1, s1  }
0x8c: {  	s17 =	sshll.u32 s0, $0xA;
	s2 =	sadd.s32 s3, s2  }
0x8d: {  	s2 =	sadd.s32 s2, s17  }
0x8e: {  	[smem:$0x3FAF] =	sst s2  }
0x8f: {  	_ = 	snop  }
0x90: {  	s2 =	sld [smem:$0x3FD0];
	(tm) =	ssettm $0x1  }
0x91: {  	s18 =	sld [smem:$0x3FFB];
	_ =	sdelay $0x3  }
0x92: {  	_ =	strace s18  }
0x93: {  	s3 =	sld [smem:$0x3FFC];
	_ =	sdelay $0x3  }
0x94: {  	_ =	strace s3  }
0x95: {  	s3 =	sld [smem:$0x3FFD];
	_ =	sdelay $0x3  }
0x96: {  	_ =	strace s3  }
0x97: {  	_ =	strace $0x8FFFFFFF  }
0x98: {  	s19 =	sld [smem:$0x3FDB];
	_ =	sdelay $0x1  }
0x99: {  	s4 =	simm.s32 $_scs_section_size  }
0x9a: {  	s5 =	simm.s32 $_size__tile_overlayer_lowered;
	s6 =	simm.s32 $_tile_overlayer_lowered  }
0x9b: {  	s22 =	simm.s32 $0x1BFF;
	s21 =	sshll.u32 s6, $0x1;
	s3 =	sadd.s32 s4, s19  }
0x9c: {  	s7 =	simm.s32 $0x0;
	s20 =	sshll.u32 s5, $0x1;
	s5 =	sadd.s32 s21, s3  }
0x9d: {  	[timem:s7], [sflag:s22] =	dma.local [hbm:s5], s20  }
0x9e: {  	_ =	swait.ge [sflag:s22], s20  }
0x9f: {  	s4 =	ssub.s32 $0x0, s20;
	[sflag:s22] =	ssyncset.done $0x0  }
0xa0: {  	[sflag:s22] =	ssyncadd.s32 s4;
	_ =	sdelay $0x1  }
0xa1: {  	s23 =	simm.s32 $0x1B8B  }
0xa2: {  	_ =	swait.ge [sflag:s23], $0x1  }
0xa3: {  	[sflag:s23] =	ssyncset.done $0x0  }
0xa4: {  	s25 =	simm.s32 $0x1B8E;
	s24 =	sld [smem:$0x3FFE];
	[sflag:s23] =	ssyncadd.s32 $0xFFFFFFFF  }
0xa5: {  	s26 =	simm.s32 $execute0_lowered;
	[smem:$0x3FD2] =	sst s25  }
0xa6: {  	s5 =	sshll.u32 s26, $0x1;
	_ =	strace $0x80000046;
	[dreg:$0x1] =	wrdreg $0xFFFFFFFF  }
0xa7: {  	s28 =	simm.s32 $_size_execute0_lowered;
	s3 =	sadd.s32 s3, s5;
	[dreg:$0x0] =	wrdreg $0x0  }
0xa8: {  	s5 =	sshll.u32 s28, $0x1;
	[dreg:$0x2] =	wrdreg s3  }
0xa9: {  	[dreg:$0x3] =	wrdreg s5  }
0xaa: {  	[dreg:$0x4] =	wrdreg $0xC0  }
0xab: {  	_ =	task [dreg:s7], $0x5FFFF  }
0xac: {  	[dreg:$0x1] =	wrdreg $0xFFFFFFFF  }
0xad: {  	[dreg:$0x0] =	wrdreg $0x60  }
0xae: {  	[dreg:$0x2] =	wrdreg s2  }
0xaf: {  	[dreg:$0x3] =	wrdreg s24  }
0xb0: {  	[dreg:$0x4] =	wrdreg $0x9  }
0xb1: {  	_ =	task.clear_ibuf [dreg:s7], $0x5FFFF;
	_ =	strace $0x90000046  }
0xb2: {  	s29 =	simm.s32 $0x9;
	_ =	strace $0x80000048  }
0xb3: {  	_ =	swait.ge [sflag:s29], $0x1  }
0xb4: {  	[sflag:s29] =	ssyncadd.s32 $0xFFFFFFFF  }
0xb5: {  	_ =	strace $0x90000048  }
0xb6: {  	_ =	sfence  }
0xb7: {  	s30 =	sld [smem:$0x0];
	_ =	sdelay $0x2  }
0xb8: {  	s31 =	sshll.u32 s1, $0xD;
	s1 =	sshrl.u32 s1, $0x2  }
0xb9: {  	s3 =	sand.u32 $0x4000, s31;
	s1 =	sadd.s32 s1, s30  }
0xba: {  	s0 =	sor.u32 s3, s0;
	s1 =	sshll.u32 s1, $0x11  }
0xbb: {  	s0 =	sor.u32 s1, s0  }
0xbc: {  	s0 =	sadd.s32 $0x8F2B, s0  }
0xbd: {  	[sflag:s0] =	ssyncadd.remote.s32 $0x1  }
0xbe: {  	_ =	sfence.sel $0xFFFF  }
0xbf: {  	[dreg:$0x0] =	wrdreg $0xFFFFFFFF;
	(pc) =	sbr.abs _section_cstart, $3  }
0xc0: {  	[dreg:$0x1] =	wrdreg $0xFFFFFFFF  }
0xc1: {  	_ =	task.clear_ibuf [dreg:s7], $0x2FFFF;
	_ =	strace $0x9FFFFFFF  }
0xc2: {  	(tm) =	ssettm $0x7FFFFFFF  }
0xc3: {  	_ =	shalt  }
tec
execute0_lowered:
.L_overlay_start_1:
0x0: {  	(tag) =	ssettag $0x1  }
0x1: {  	s1 =	srdreg.scid;
	s0 =	stileid.u32  }
0x2: {  	s2 =	rddreg [dreg:$0x0];
	s1 =	sand.u32 $0x1, s1;
	s3 =	sshll.u32 s0, $0x1  }
0x3: {  	s5 =	rddreg [dreg:$0x1];
	s4 =	sor.u32 s1, s3;
	s3 =	simm.s32 $0x0  }
0x4: {  	s19 =	simm.s32 $0x900;
	[smem:$0x7FF] =	sst s3  }
0x5: {  	s20 =	simm.s32 $0x1100;
	_ =	strace $0x80000047;
	[dreg:$0x5] =	wrdreg s19  }
0x6: {  	s21 =	simm.s32 $0x1500;
	[dreg:$0x6] =	wrdreg s20  }
0x7: {  	s22 =	simm.s32 $0x1D00;
	[dreg:$0x7] =	wrdreg s21  }
0x8: {  	s23 =	simm.s32 $0x2500;
	[dreg:$0x8] =	wrdreg s22  }
0x9: {  	s24 =	simm.s32 $0x2900;
	[dreg:$0x9] =	wrdreg s23  }
0xa: {  	s25 =	simm.s32 $0x3100;
	[dreg:$0xa] =	wrdreg s24  }
0xb: {  	s26 =	simm.s32 $0x3900;
	[dreg:$0xb] =	wrdreg s25  }
0xc: {  	s0 =	simm.s32 $0x3D00;
	[dreg:$0xc] =	wrdreg s26  }
0xd: {  	s7 =	simm.s32 $0x5100;
	[dreg:$0xd] =	wrdreg s0  }
0xe: {  	s8 =	simm.s32 $0x5900;
	[dreg:$0x10] =	wrdreg s7  }
0xf: {  	s9 =	simm.s32 $0x6100;
	[dreg:$0x11] =	wrdreg s8  }
0x10: {  	s10 =	simm.s32 $0x6500;
	[dreg:$0x12] =	wrdreg s9  }
0x11: {  	s11 =	simm.s32 $0x6D00;
	s12 =	simm.s32 $0x7500;
	[dreg:$0x13] =	wrdreg s10  }
0x12: {  	s13 =	simm.s32 $0x7900;
	s14 =	simm.s32 $0x8100;
	[dreg:$0x14] =	wrdreg s11  }
0x13: {  	s15 =	simm.s32 $0x8900;
	s16 =	simm.s32 $0x8D00;
	[dreg:$0x15] =	wrdreg s12  }
0x14: {  	s17 =	simm.s32 $0x9500;
	s28 =	simm.s32 $0x15100;
	[dreg:$0x16] =	wrdreg s13  }
0x15: {  	s29 =	simm.s32 $0x15500;
	s30 =	simm.s32 $0x15D00;
	[dreg:$0x17] =	wrdreg s14  }
0x16: {  	s31 =	simm.s32 $0x16500;
	s6 =	smul.u32 $0x12, s4;
	[dreg:$0x18] =	wrdreg s15  }
0x17: {  	s1 =	ssub.s32 $0x2, s1;
	s4 =	smul.u32 $0x2D00, s4;
	[dreg:$0x19] =	wrdreg s16  }
0x18: {  	[dreg:$0x1a] =	wrdreg s17;
	s19 =	simm.s32 $0xA100;
	s20 =	sshrl.u32 s1, $0x1  }
0x19: {  	s21 =	simm.s32 $0xA900;
	s22 =	simm.s32 $0xB100;
	s23 =	simm.s32 $0xB500  }
0x1a: {  	s7 =	simm.s32 $0xBD00;
	s24 =	simm.s32 $0xC500;
	s25 =	simm.s32 $0xC900  }
0x1b: {  	s8 =	simm.s32 $0x100;
	s26 =	simm.s32 $0xD100;
	[dreg:$0x1c] =	wrdreg s19  }
0x1c: {  	s10 =	simm.s32 $0xDD00;
	s11 =	simm.s32 $0xE500;
	[dreg:$0x1d] =	wrdreg s21  }
0x1d: {  	s12 =	simm.s32 $0xED00;
	s13 =	simm.s32 $0xF100;
	[dreg:$0x1e] =	wrdreg s22  }
0x1e: {  	s14 =	simm.s32 $0xF900;
	s15 =	simm.s32 $0x10100;
	[dreg:$0x1f] =	wrdreg s23  }
0x1f: {  	s16 =	simm.s32 $0x10500;
	s17 =	simm.s32 $0x10D00;
	[smem:$0x7FA] =	sst s7  }
0x20: {  	s6 =	sadd.s32 s6, s5;
	s4 =	sadd.s32 s4, s5;
	[smem:$0x7FB] =	sst s24  }
0x21: {  	s5 =	simm.s32 $0x4500;
	s1 =	ssub.s32 s1, s20;
	[smem:$0x7FC] =	sst s25  }
0x22: {  	s7 =	simm.s32 $0x2;
	[smem:$0x7FD] =	sst s26;
	s19 =	simm.s32 $0x11900  }
0x23: {  	s20 =	simm.s32 $0x12100;
	s21 =	simm.s32 $0x12900;
	s22 =	simm.s32 $0x12D00  }
0x24: {  	s23 =	simm.s32 $0x13500;
	s18 =	sadd.s32 $0x400, s6;
	[dreg:$0xe] =	wrdreg s5  }
0x25: {  	s24 =	simm.s32 $0x13D00;
	s4 =	sadd.s32 $0x800, s4;
	[dreg:$0x3] =	wrdreg s18  }
0x26: {  	s25 =	simm.s32 $0x14100;
	s6 =	simm.s32 $0x4D00;
	[dreg:$0x4] =	wrdreg s4  }
0x27: {  	v2 =	vlaneseq.u32;
	s26 =	simm.s32 $0x14900;
	s5 =	sadd.s32 $0x200, s2;
	[dreg:$0xf] =	wrdreg s6  }
0x28: {  	vm0 =	vmmov $0xffff;
	vm1 =	vmmov $0xff;
	v1 =	vshrl.u32 v2, $0x3;
	s18 =	simm.s32 $0x9D00;
	s4 =	sadd.s32 $0x100, s2;
	s6 =	smax.u32 s1, $0x1  }
0x29: {  	v0 =	vand.u32 $0x7, v2;
	v2 =	vor.u32 $0x8, v2;
	v1 =	vmul.u32 $0x8, v1;
	s1 =	simm.s32 $0x1;
	[dreg:$0x1b] =	wrdreg s18;
	s18 =	simm.s32 $0x11500  }
.LBB2_1:
0x2a: {  	s0 =	rddreg [dreg:$0x3]  }
0x2b: {  	[tilespmem:s3], [sflag:$0x2] =	stream.linear.gather [hbm4b:s0+s3], $0x90, $0x38;
	[tilespmem:$0x16900] =	vst v63  }
0x2c: {  	_ =	swait.ge [sflag:s7], $0x90  }
0x2d: {  	[sflag:s7] =	ssyncset.done $0x0  }
0x2e: {  	[sflag:s7] =	ssyncadd.s32 $0xFFFFFF70  }
0x2f: {  	v3 =	vld [tilespmem:$0x0];
	_ =	sdelay $0x4  }
0x30: {  	v4 =	vshrl.u32 v3, $0x3  }
0x31: {  	v4 =	vmul.u32 $0x28, v4  }
0x32: {  	v3 =	vand.u32 $0x7, v3  }
0x33: {  	v3 =	vor.u32 v3, v4  }
0x34: {  	v4 =	vperm.xlane v3, v0;
	_ =	sdelay $0x1  }
0x35: {  	v4 =	vadd.s32 v1, v4;
	_ =	sdelay $0x3  }
0x36: {  	v3 =	vperm.xlane v3, v2  }
0x37: {  	[tilespmem:s8], [sflag:$0x1] =	stream.indirect_vreg.gather [hbm4b:s2+s3], $0x80, v4, vm0, $0xb8;
	[tilespmem:$0x16900] =	vst v63  }
0x38: {  	s0 =	rddreg [dreg:$0x5];
	v3 =	vadd.s32 v1, v3  }
0x39: {  	[tilespmem:s0], [sflag:$0x1] =	stream.indirect_vreg.gather [hbm4b:s4+s3], $0x80, v4, vm0, $0xb8;
	[tilespmem:$0x16900] =	vst v63  }
0x3a: {  	s9 =	rddreg [dreg:$0x6]  }
0x3b: {  	[tilespmem:s9], [sflag:$0x1] =	stream.indirect_vreg.gather [hbm4b:s5+s3], $0x80, v4, vm1, $0xb8;
	[tilespmem:$0x16900] =	vst v63  }
0x3c: {  	s0 =	rddreg [dreg:$0x7]  }
0x3d: {  	[tilespmem:s0], [sflag:$0x1] =	stream.indirect_vreg.gather [hbm4b:s2+s3], $0x80, v3, vm0, $0xb8;
	[tilespmem:$0x16900] =	vst v63  }
0x3e: {  	s9 =	rddreg [dreg:$0x8]  }
0x3f: {  	[tilespmem:s9], [sflag:$0x1] =	stream.indirect_vreg.gather [hbm4b:s4+s3], $0x80, v3, vm0, $0xb8;
	[tilespmem:$0x16900] =	vst v63  }
0x40: {  	s0 =	rddreg [dreg:$0x9]  }
0x41: {  	[tilespmem:s0], [sflag:$0x1] =	stream.indirect_vreg.gather [hbm4b:s5+s3], $0x80, v3, vm1, $0xb8;
	[tilespmem:$0x16900] =	vst v63  }
0x42: {  	v3 =	vld [tilespmem:$0x10];
	_ =	sdelay $0x4  }
0x43: {  	v56 =	vshrl.u32 v3, $0x3  }
0x44: {  	v4 =	vmul.u32 $0x28, v56  }
0x45: {  	v3 =	vand.u32 $0x7, v3  }
0x46: {  	v3 =	vor.u32 v3, v4  }
0x47: {  	v4 =	vperm.xlane v3, v0;
	_ =	sdelay $0x1  }
0x48: {  	v4 =	vadd.s32 v1, v4;
	_ =	sdelay $0x3  }
0x49: {  	s0 =	rddreg [dreg:$0xa];
	v3 =	vperm.xlane v3, v2  }
0x4a: {  	[tilespmem:s0], [sflag:$0x1] =	stream.indirect_vreg.gather [hbm4b:s2+s3], $0x80, v4, vm0, $0xb8;
	[tilespmem:$0x16900] =	vst v63  }
0x4b: {  	s9 =	rddreg [dreg:$0xb];
	v3 =	vadd.s32 v1, v3  }
0x4c: {  	[tilespmem:s9], [sflag:$0x1] =	stream.indirect_vreg.gather [hbm4b:s4+s3], $0x80, v4, vm0, $0xb8;
	[tilespmem:$0x16900] =	vst v63  }
0x4d: {  	s0 =	rddreg [dreg:$0xc]  }
0x4e: {  	[tilespmem:s0], [sflag:$0x1] =	stream.indirect_vreg.gather [hbm4b:s5+s3], $0x80, v4, vm1, $0xb8;
	[tilespmem:$0x16900] =	vst v63  }
0x4f: {  	s9 =	rddreg [dreg:$0xd]  }
0x50: {  	[tilespmem:s9], [sflag:$0x1] =	stream.indirect_vreg.gather [hbm4b:s2+s3], $0x80, v3, vm0, $0xb8;
	[tilespmem:$0x16900] =	vst v63  }
0x51: {  	s0 =	rddreg [dreg:$0xe]  }
0x52: {  	[tilespmem:s0], [sflag:$0x1] =	stream.indirect_vreg.gather [hbm4b:s4+s3], $0x80, v3, vm0, $0xb8;
	[tilespmem:$0x16900] =	vst v63  }
0x53: {  	s9 =	rddreg [dreg:$0xf]  }
0x54: {  	[tilespmem:s9], [sflag:$0x1] =	stream.indirect_vreg.gather [hbm4b:s5+s3], $0x80, v3, vm1, $0xb8;
	[tilespmem:$0x16900] =	vst v63  }
0x55: {  	v3 =	vld [tilespmem:$0x20];
	_ =	sdelay $0x4  }
0x56: {  	v57 =	vshrl.u32 v3, $0x3  }
0x57: {  	v4 =	vmul.u32 $0x28, v57  }
0x58: {  	v3 =	vand.u32 $0x7, v3  }
0x59: {  	v3 =	vor.u32 v3, v4  }
0x5a: {  	v4 =	vperm.xlane v3, v0;
	_ =	sdelay $0x1  }
0x5b: {  	v4 =	vadd.s32 v1, v4;
	_ =	sdelay $0x3  }
0x5c: {  	s0 =	rddreg [dreg:$0x10];
	v3 =	vperm.xlane v3, v2  }
0x5d: {  	[tilespmem:s0], [sflag:$0x1] =	stream.indirect_vreg.gather [hbm4b:s2+s3], $0x80, v4, vm0, $0xb8;
	[tilespmem:$0x16900] =	vst v63  }
0x5e: {  	s9 =	rddreg [dreg:$0x11];
	v3 =	vadd.s32 v1, v3  }
0x5f: {  	[tilespmem:s9], [sflag:$0x1] =	stream.indirect_vreg.gather [hbm4b:s4+s3], $0x80, v4, vm0, $0xb8;
	[tilespmem:$0x16900] =	vst v63  }
0x60: {  	s0 =	rddreg [dreg:$0x12]  }
0x61: {  	[tilespmem:s0], [sflag:$0x1] =	stream.indirect_vreg.gather [hbm4b:s5+s3], $0x80, v4, vm1, $0xb8;
	[tilespmem:$0x16900] =	vst v63  }
0x62: {  	s9 =	rddreg [dreg:$0x13]  }
0x63: {  	[tilespmem:s9], [sflag:$0x1] =	stream.indirect_vreg.gather [hbm4b:s2+s3], $0x80, v3, vm0, $0xb8;
	[tilespmem:$0x16900] =	vst v63  }
0x64: {  	s0 =	rddreg [dreg:$0x14]  }
0x65: {  	[tilespmem:s0], [sflag:$0x1] =	stream.indirect_vreg.gather [hbm4b:s4+s3], $0x80, v3, vm0, $0xb8;
	[tilespmem:$0x16900] =	vst v63  }
0x66: {  	s9 =	rddreg [dreg:$0x15]  }
0x67: {  	[tilespmem:s9], [sflag:$0x1] =	stream.indirect_vreg.gather [hbm4b:s5+s3], $0x80, v3, vm1, $0xb8;
	[tilespmem:$0x16900] =	vst v63  }
0x68: {  	v3 =	vld [tilespmem:$0x30];
	_ =	sdelay $0x4  }
0x69: {  	v58 =	vshrl.u32 v3, $0x3  }
0x6a: {  	v4 =	vmul.u32 $0x28, v58  }
0x6b: {  	v3 =	vand.u32 $0x7, v3  }
0x6c: {  	v3 =	vor.u32 v3, v4  }
0x6d: {  	v4 =	vperm.xlane v3, v0;
	_ =	sdelay $0x1  }
0x6e: {  	v4 =	vadd.s32 v1, v4;
	_ =	sdelay $0x3  }
0x6f: {  	s0 =	rddreg [dreg:$0x16];
	v3 =	vperm.xlane v3, v2  }
0x70: {  	[tilespmem:s0], [sflag:$0x1] =	stream.indirect_vreg.gather [hbm4b:s2+s3], $0x80, v4, vm0, $0xb8;
	[tilespmem:$0x16900] =	vst v63  }
0x71: {  	s9 =	rddreg [dreg:$0x17];
	v3 =	vadd.s32 v1, v3  }
0x72: {  	[tilespmem:s9], [sflag:$0x1] =	stream.indirect_vreg.gather [hbm4b:s4+s3], $0x80, v4, vm0, $0xb8;
	[tilespmem:$0x16900] =	vst v63  }
0x73: {  	s0 =	rddreg [dreg:$0x18]  }
0x74: {  	[tilespmem:s0], [sflag:$0x1] =	stream.indirect_vreg.gather [hbm4b:s5+s3], $0x80, v4, vm1, $0xb8;
	[tilespmem:$0x16900] =	vst v63  }
0x75: {  	s9 =	rddreg [dreg:$0x19]  }
0x76: {  	[tilespmem:s9], [sflag:$0x1] =	stream.indirect_vreg.gather [hbm4b:s2+s3], $0x80, v3, vm0, $0xb8;
	[tilespmem:$0x16900] =	vst v63  }
0x77: {  	s0 =	rddreg [dreg:$0x1a]  }
0x78: {  	[tilespmem:s0], [sflag:$0x1] =	stream.indirect_vreg.gather [hbm4b:s4+s3], $0x80, v3, vm0, $0xb8;
	[tilespmem:$0x16900] =	vst v63  }
0x79: {  	s9 =	rddreg [dreg:$0x1b]  }
0x7a: {  	[tilespmem:s9], [sflag:$0x1] =	stream.indirect_vreg.gather [hbm4b:s5+s3], $0x80, v3, vm1, $0xb8;
	[tilespmem:$0x16900] =	vst v63  }
0x7b: {  	v3 =	vld [tilespmem:$0x40];
	_ =	sdelay $0x4  }
0x7c: {  	v59 =	vshrl.u32 v3, $0x3  }
0x7d: {  	v4 =	vmul.u32 $0x28, v59  }
0x7e: {  	v3 =	vand.u32 $0x7, v3  }
0x7f: {  	v3 =	vor.u32 v3, v4  }
0x80: {  	v4 =	vperm.xlane v3, v0;
	_ =	sdelay $0x1  }
0x81: {  	v4 =	vadd.s32 v1, v4;
	_ =	sdelay $0x2  }
0x82: {  	s0 =	rddreg [dreg:$0x1c]  }
0x83: {  	s9 =	rddreg [dreg:$0x1d];
	v3 =	vperm.xlane v3, v2  }
0x84: {  	[tilespmem:s0], [sflag:$0x1] =	stream.indirect_vreg.gather [hbm4b:s2+s3], $0x80, v4, vm0, $0xb8;
	[tilespmem:$0x16900] =	vst v63  }
0x85: {  	v3 =	vadd.s32 v1, v3;
	s0 =	rddreg [dreg:$0x1e]  }
0x86: {  	[tilespmem:s9], [sflag:$0x1] =	stream.indirect_vreg.gather [hbm4b:s4+s3], $0x80, v4, vm0, $0xb8;
	[tilespmem:$0x16900] =	vst v63  }
0x87: {  	s9 =	rddreg [dreg:$0x1f]  }
0x88: {  	[tilespmem:s0], [sflag:$0x1] =	stream.indirect_vreg.gather [hbm4b:s5+s3], $0x80, v4, vm1, $0xb8;
	[tilespmem:$0x16900] =	vst v63  }
0x89: {  	s0 =	sld [smem:$0x7FA]  }
0x8a: {  	[tilespmem:s9], [sflag:$0x1] =	stream.indirect_vreg.gather [hbm4b:s2+s3], $0x80, v3, vm0, $0xb8;
	[tilespmem:$0x16900] =	vst v63  }
0x8b: {  	s9 =	sld [smem:$0x7FB]  }
0x8c: {  	[tilespmem:s0], [sflag:$0x1] =	stream.indirect_vreg.gather [hbm4b:s4+s3], $0x80, v3, vm0, $0xb8;
	[tilespmem:$0x16900] =	vst v63  }
0x8d: {  	_ = 	snop  }
0x8e: {  	[tilespmem:s9], [sflag:$0x1] =	stream.indirect_vreg.gather [hbm4b:s5+s3], $0x80, v3, vm1, $0xb8;
	[tilespmem:$0x16900] =	vst v63  }
0x8f: {  	v3 =	vld [tilespmem:$0x50];
	_ =	sdelay $0x4  }
0x90: {  	v60 =	vshrl.u32 v3, $0x3  }
0x91: {  	v4 =	vmul.u32 $0x28, v60  }
0x92: {  	v3 =	vand.u32 $0x7, v3  }
0x93: {  	v3 =	vor.u32 v3, v4  }
0x94: {  	v4 =	vperm.xlane v3, v0;
	_ =	sdelay $0x1  }
0x95: {  	v4 =	vadd.s32 v1, v4;
	_ =	sdelay $0x1  }
0x96: {  	s0 =	sld [smem:$0x7FC];
	_ =	sdelay $0x1  }
0x97: {  	s9 =	sld [smem:$0x7FD];
	v3 =	vperm.xlane v3, v2  }
0x98: {  	[tilespmem:s0], [sflag:$0x1] =	stream.indirect_vreg.gather [hbm4b:s2+s3], $0x80, v4, vm0, $0xb8;
	[tilespmem:$0x16900] =	vst v63  }
0x99: {  	v3 =	vadd.s32 v1, v3  }
0x9a: {  	[tilespmem:s9], [sflag:$0x1] =	stream.indirect_vreg.gather [hbm4b:s4+s3], $0x80, v4, vm0, $0xb8;
	[tilespmem:$0x16900] =	vst v63  }
0x9b: {  	s9 =	simm.s32 $0xD900  }
0x9c: {  	[tilespmem:s9], [sflag:$0x1] =	stream.indirect_vreg.gather [hbm4b:s5+s3], $0x80, v4, vm1, $0xb8;
	[tilespmem:$0x16900] =	vst v63  }
0x9d: {  	_ = 	snop  }
0x9e: {  	[tilespmem:s10], [sflag:$0x1] =	stream.indirect_vreg.gather [hbm4b:s2+s3], $0x80, v3, vm0, $0xb8;
	[tilespmem:$0x16900] =	vst v63  }
0x9f: {  	_ = 	snop  }
0xa0: {  	[tilespmem:s11], [sflag:$0x1] =	stream.indirect_vreg.gather [hbm4b:s4+s3], $0x80, v3, vm0, $0xb8;
	[tilespmem:$0x16900] =	vst v63  }
0xa1: {  	_ = 	snop  }
0xa2: {  	[tilespmem:s12], [sflag:$0x1] =	stream.indirect_vreg.gather [hbm4b:s5+s3], $0x80, v3, vm1, $0xb8;
	[tilespmem:$0x16900] =	vst v63  }
0xa3: {  	v3 =	vld [tilespmem:$0x60];
	_ =	sdelay $0x4  }
0xa4: {  	v61 =	vshrl.u32 v3, $0x3  }
0xa5: {  	v4 =	vmul.u32 $0x28, v61  }
0xa6: {  	v3 =	vand.u32 $0x7, v3  }
0xa7: {  	v3 =	vor.u32 v3, v4  }
0xa8: {  	v4 =	vperm.xlane v3, v0;
	_ =	sdelay $0x1  }
0xa9: {  	v4 =	vadd.s32 v1, v4;
	_ =	sdelay $0x3  }
0xaa: {  	v3 =	vperm.xlane v3, v2  }
0xab: {  	[tilespmem:s13], [sflag:$0x1] =	stream.indirect_vreg.gather [hbm4b:s2+s3], $0x80, v4, vm0, $0xb8;
	[tilespmem:$0x16900] =	vst v63  }
0xac: {  	v3 =	vadd.s32 v1, v3  }
0xad: {  	[tilespmem:s14], [sflag:$0x1] =	stream.indirect_vreg.gather [hbm4b:s4+s3], $0x80, v4, vm0, $0xb8;
	[tilespmem:$0x16900] =	vst v63  }
0xae: {  	_ = 	snop  }
0xaf: {  	[tilespmem:s15], [sflag:$0x1] =	stream.indirect_vreg.gather [hbm4b:s5+s3], $0x80, v4, vm1, $0xb8;
	[tilespmem:$0x16900] =	vst v63  }
0xb0: {  	_ = 	snop  }
0xb1: {  	[tilespmem:s16], [sflag:$0x1] =	stream.indirect_vreg.gather [hbm4b:s2+s3], $0x80, v3, vm0, $0xb8;
	[tilespmem:$0x16900] =	vst v63  }
0xb2: {  	_ = 	snop  }
0xb3: {  	[tilespmem:s17], [sflag:$0x1] =	stream.indirect_vreg.gather [hbm4b:s4+s3], $0x80, v3, vm0, $0xb8;
	[tilespmem:$0x16900] =	vst v63  }
0xb4: {  	_ = 	snop  }
0xb5: {  	[tilespmem:s18], [sflag:$0x1] =	stream.indirect_vreg.gather [hbm4b:s5+s3], $0x80, v3, vm1, $0xb8;
	[tilespmem:$0x16900] =	vst v63  }
0xb6: {  	v3 =	vld [tilespmem:$0x70];
	_ =	sdelay $0x4  }
0xb7: {  	v62 =	vshrl.u32 v3, $0x3  }
0xb8: {  	v4 =	vmul.u32 $0x28, v62  }
0xb9: {  	v3 =	vand.u32 $0x7, v3  }
0xba: {  	v3 =	vor.u32 v3, v4  }
0xbb: {  	v4 =	vperm.xlane v3, v0;
	_ =	sdelay $0x1  }
0xbc: {  	v4 =	vadd.s32 v1, v4;
	_ =	sdelay $0x3  }
0xbd: {  	v3 =	vperm.xlane v3, v2  }
0xbe: {  	[tilespmem:s19], [sflag:$0x1] =	stream.indirect_vreg.gather [hbm4b:s2+s3], $0x80, v4, vm0, $0xb8;
	[tilespmem:$0x16900] =	vst v63  }
0xbf: {  	v3 =	vadd.s32 v1, v3  }
0xc0: {  	[tilespmem:s20], [sflag:$0x1] =	stream.indirect_vreg.gather [hbm4b:s4+s3], $0x80, v4, vm0, $0xb8;
	[tilespmem:$0x16900] =	vst v63  }
0xc1: {  	_ = 	snop  }
0xc2: {  	[tilespmem:s21], [sflag:$0x1] =	stream.indirect_vreg.gather [hbm4b:s5+s3], $0x80, v4, vm1, $0xb8;
	[tilespmem:$0x16900] =	vst v63  }
0xc3: {  	_ = 	snop  }
0xc4: {  	[tilespmem:s22], [sflag:$0x1] =	stream.indirect_vreg.gather [hbm4b:s2+s3], $0x80, v3, vm0, $0xb8;
	[tilespmem:$0x16900] =	vst v63  }
0xc5: {  	_ = 	snop  }
0xc6: {  	[tilespmem:s23], [sflag:$0x1] =	stream.indirect_vreg.gather [hbm4b:s4+s3], $0x80, v3, vm0, $0xb8;
	[tilespmem:$0x16900] =	vst v63  }
0xc7: {  	_ = 	snop  }
0xc8: {  	[tilespmem:s24], [sflag:$0x1] =	stream.indirect_vreg.gather [hbm4b:s5+s3], $0x80, v3, vm1, $0xb8;
	[tilespmem:$0x16900] =	vst v63  }
0xc9: {  	v3 =	vld [tilespmem:$0x80];
	_ =	sdelay $0x4  }
0xca: {  	v63 =	vshrl.u32 v3, $0x3  }
0xcb: {  	v4 =	vmul.u32 $0x28, v63  }
0xcc: {  	v3 =	vand.u32 $0x7, v3  }
0xcd: {  	v3 =	vor.u32 v3, v4  }
0xce: {  	v4 =	vperm.xlane v3, v0;
	_ =	sdelay $0x1  }
0xcf: {  	v4 =	vadd.s32 v1, v4;
	_ =	sdelay $0x3  }
0xd0: {  	v3 =	vperm.xlane v3, v2  }
0xd1: {  	[tilespmem:s25], [sflag:$0x1] =	stream.indirect_vreg.gather [hbm4b:s2+s3], $0x80, v4, vm0, $0xb8;
	[tilespmem:$0x16900] =	vst v63  }
0xd2: {  	v3 =	vadd.s32 v1, v3  }
0xd3: {  	[tilespmem:s26], [sflag:$0x1] =	stream.indirect_vreg.gather [hbm4b:s4+s3], $0x80, v4, vm0, $0xb8;
	[tilespmem:$0x16900] =	vst v63  }
0xd4: {  	_ = 	snop  }
0xd5: {  	[tilespmem:s28], [sflag:$0x1] =	stream.indirect_vreg.gather [hbm4b:s5+s3], $0x80, v4, vm1, $0xb8;
	[tilespmem:$0x16900] =	vst v63  }
0xd6: {  	_ = 	snop  }
0xd7: {  	[tilespmem:s29], [sflag:$0x1] =	stream.indirect_vreg.gather [hbm4b:s2+s3], $0x80, v3, vm0, $0xb8;
	[tilespmem:$0x16900] =	vst v63  }
0xd8: {  	_ = 	snop  }
0xd9: {  	[tilespmem:s30], [sflag:$0x1] =	stream.indirect_vreg.gather [hbm4b:s4+s3], $0x80, v3, vm0, $0xb8;
	[tilespmem:$0x16900] =	vst v63  }
0xda: {  	_ = 	snop  }
0xdb: {  	[tilespmem:s31], [sflag:$0x1] =	stream.indirect_vreg.gather [hbm4b:s5+s3], $0x80, v3, vm1, $0xb8;
	[tilespmem:$0x16900] =	vst v63  }
0xdc: {  	_ =	swait.ge [sflag:s1], $0x16800  }
0xdd: {  	p0 =	sne.s32 s6, $0x1;
	[sflag:s1] =	ssyncset.done $0x0  }
.Ltmp0:
0xde: {  	s9 =	rddreg [dreg:$0x4];
	[sflag:s1] =	ssyncadd.s32 $0xFFFE9800;
	(pc) =	sbr.rel @p0 .LBB2_1-.Ltmp0, $4  }
0xdf: {  	[hbm4b:s9+s3] =	stream.linear.scatter [tilespmem:s8], [sflag:$0x2], $0x16800, $0x38;
	[tilespmem:$0x16900] =	vst v63  }
0xe0: {  	_ =	swait.ge [sflag:s7], $0x16800  }
0xe1: {  	[sflag:s7] =	ssyncset.done $0x0  }
0xe2: {  	s6 =	sadd.s32 $0xFFFFFFFF, s6;
	[sflag:s7] =	ssyncadd.s32 $0xFFFE9800  }
0xe3: {  	_ =	sfence.sel $0x180000  }
0xe4: {  	[bflag:$0x0] =	sbarrier.arrive $0xFFFF  }
0xe5: {  	_ =	strace $0x90000047  }
0xe6: {  	s0 =	stileid.u32;
	[bflag:$0x2] =	sbarrier.arrive $0xFFFF  }
0xe7: {  	p0 =	sne.s32 s0, $0x0;
	s0 =	rddreg [dreg:$0x2]  }
0xe8: {  	s0 =	sadd.s32 @!p0 $0x100000, s0  }
0xe9: {  	[sflag:s0] =	ssyncadd.tile.s32 @!p0 $0x1;
	_ =	shalt  }
.Lfunc_end2:
_tile_overlayer_lowered:
.L_overlay_start_2:
0xea: {  	(tag) =	ssettag $0x2  }
0xeb: {  	s0 =	rddreg [dreg:$0x0];
	s2 =	stileid.u32  }
0xec: {  	s1 =	rddreg [dreg:$0x1];
	p0 =	sne.s32 s2, $0x0  }
0xed: {  	s3 =	rddreg [dreg:$0x2];
	[bflag:$0x3] =	sbarrier.arrive $0xFFFF;
	s2 =	simm.s32 @!p0 $0x1C02  }
0xee: {  	[timem:s3], [sflag:s2] =	dma.local @!p0 [hbm:s0], s1  }
0xef: {  	s0 =	simm.s32 @!p0 $0x2  }
0xf0: {  	_ =	swait.ge @!p0 [sflag:s0], s1  }
0xf1: {  	s1 =	ssub.s32 @!p0 $0x0, s1;
	[sflag:s0] =	ssyncset.done @!p0 $0x0  }
0xf2: {  	[sflag:s0] =	ssyncadd.s32 @!p0 s1  }
0xf3: {  	[bflag:$0x3] =	sbarrier.arrive $0xFFFF  }
0xf4: {  	_ =	shalt  }

</sc_bundles>
